<compile_context>
chip_gen: v7x
topology: tpu7x:2x2x1
jax: 0.10.2.dev20260603
libtpu: 0.0.44.dev20260713+nightly
codegen_flags: <defaults>
</compile_context>

<pallas_src>
import jax
import jax.numpy as jnp
from jax import lax
from jax.experimental import pallas as pl
from jax.experimental.pallas import tpu as pltpu
from jax.experimental.pallas import tpu_sc as plsc

N_USERS = 50000
N_ENTITIES = 100000
N_RELATIONS = 64
EMB_DIM = 64

SC_NC = 2
SC_NS = 16
SC_NW = SC_NC * SC_NS
SC_LANES = 16

GATHER_CHUNK = 128

TC_TILE = 2048

N_BUF = 3


def _sc_gather_body(hidx_hbm, pidx_hbm, nidx_hbm, emb_hbm,
                    h_hbm, p_hbm, n_hbm,
                    idx_v, buf_v, gsems, wsems):
    b = h_hbm.shape[0]
    b_per_w = b // SC_NW
    n_chunks = b_per_w // GATHER_CHUNK
    wid = lax.axis_index("s") * SC_NC + lax.axis_index("c")
    base = wid * b_per_w
    cbase = wid * n_chunks

    units = [(hidx_hbm, emb_hbm, h_hbm), (pidx_hbm, emb_hbm, p_hbm),
             (nidx_hbm, emb_hbm, n_hbm)]

    for u, (idx_hbm, _, _) in enumerate(units):
        pltpu.sync_copy(idx_hbm.at[pl.ds(cbase, n_chunks)], idx_v.at[u])

    def unit_buf(u):
        return buf_v.at[u]

    gh = [
        [
            pltpu.async_copy(
                units[u][1].at[idx_v.at[u].at[j]],
                unit_buf(u).at[pl.ds(j * GATHER_CHUNK, GATHER_CHUNK)],
                gsems[u])
            for j in range(n_chunks)
        ]
        for u in range(len(units))
    ]
    wh = [None] * len(units)
    for u in range(len(units)):
        for h in gh[u]:
            h.wait()
        wh[u] = pltpu.async_copy(
            unit_buf(u), units[u][2].at[pl.ds(base, b_per_w)], wsems[u])
    for u in range(len(units)):
        wh[u].wait()


def _sc_gather(heads2d, pos2d, neg2d, emb16):
    n_chunks_total = heads2d.shape[0]
    b = n_chunks_total * GATHER_CHUNK
    out16 = jax.ShapeDtypeStruct((b, EMB_DIM), jnp.bfloat16)
    b_per_w = b // SC_NW
    n_chunks = b_per_w // GATHER_CHUNK
    run = pl.kernel(
        _sc_gather_body,
        out_type=[out16] * 3,
        mesh=plsc.VectorSubcoreMesh(core_axis_name="c", subcore_axis_name="s"),
        scratch_types=[
            pltpu.VMEM((3, n_chunks, GATHER_CHUNK), jnp.int32),
            pltpu.VMEM((3, b_per_w, EMB_DIM), jnp.bfloat16),
            [pltpu.SemaphoreType.DMA] * 3,
            [pltpu.SemaphoreType.DMA] * 3,
        ],
        compiler_params=pltpu.CompilerParams(use_tc_tiling_on_sc=False),
    )
    return run(heads2d, pos2d, neg2d, emb16)


N_HI = 8
N_LO = N_RELATIONS // N_HI


def _tc_project_body(h_ref, p_ref, n_ref, rel_ref, re_ref, w_ref,
                     ho_ref, ro_ref, po_ref, no_ref):
    rel = rel_ref[...]
    rel64 = jnp.broadcast_to(rel, (rel.shape[0], EMB_DIM))
    hi64 = rel64 // N_LO
    lo64 = rel64 % N_LO
    oh_hi = [hi64 == g for g in range(N_HI)]
    oh_lo = [lo64 == g for g in range(N_LO)]

    w = w_ref[...]

    def project(x_ref, out_ref):
        x = x_ref[...]
        zeros = jnp.zeros_like(x)
        xexp = jnp.concatenate(
            [jnp.where(oh_hi[g], x, zeros) for g in range(N_HI)], axis=1)
        z = jnp.dot(
            xexp, w, preferred_element_type=jnp.float32).astype(jnp.bfloat16)
        zeros_z = jnp.zeros((z.shape[0], EMB_DIM), jnp.bfloat16)
        acc = jnp.where(oh_lo[0], z[:, :EMB_DIM], zeros_z)
        for g in range(1, N_LO):
            acc += jnp.where(
                oh_lo[g], z[:, g * EMB_DIM:(g + 1) * EMB_DIM], zeros_z)
        out_ref[...] = acc.astype(jnp.float32)

    project(h_ref, ho_ref)
    project(p_ref, po_ref)
    project(n_ref, no_ref)

    rel_iota = lax.broadcasted_iota(jnp.int32, (rel.shape[0], N_RELATIONS), 1)
    oh = (rel == rel_iota).astype(jnp.float32)
    ro_ref[...] = jnp.dot(oh, re_ref[...], preferred_element_type=jnp.float32)


def _tc_project(h_rows, p_rows, n_rows, relations, relation_embed, w_flat):
    b = h_rows.shape[0]
    tb = TC_TILE
    grid = (b // tb,)
    row_spec = pl.BlockSpec((tb, EMB_DIM), lambda i: (i, 0))
    idx_spec = pl.BlockSpec((tb, 1), lambda i: (i, 0))
    out = jax.ShapeDtypeStruct((b, EMB_DIM), jnp.float32)
    return pl.pallas_call(
        _tc_project_body,
        grid=grid,
        in_specs=[row_spec] * 3 + [idx_spec] + [
            pl.BlockSpec((N_RELATIONS, EMB_DIM), lambda i: (0, 0)),
            pl.BlockSpec(w_flat.shape, lambda i: (0, 0)),
        ],
        out_specs=[row_spec] * 4,
        out_shape=[out] * 4,
        compiler_params=pltpu.CompilerParams(
            vmem_limit_bytes=100 * 1024 * 1024),
    )(h_rows, p_rows, n_rows, relations.reshape(b, 1),
      relation_embed, w_flat)


def kernel(heads, relations, pos_tails, neg_tails, user_embed, entity_embed,
           relation_embed, trans_W):
    b = heads.shape[0]
    emb16 = jnp.concatenate(
        [user_embed, entity_embed], axis=0).astype(jnp.bfloat16)
    nct = b // GATHER_CHUNK
    h_rows, p_rows, n_rows = _sc_gather(
        heads.reshape(nct, GATHER_CHUNK),
        pos_tails.reshape(nct, GATHER_CHUNK),
        neg_tails.reshape(nct, GATHER_CHUNK),
        emb16)
    kge = trans_W.shape[-1]
    w_flat = trans_W.reshape(N_HI, N_LO, EMB_DIM, kge).transpose(
        0, 2, 1, 3).reshape(N_HI * EMB_DIM, N_LO * kge).astype(jnp.bfloat16)
    h_e, r_e, pos_t_e, neg_t_e = _tc_project(
        h_rows, p_rows, n_rows, relations, relation_embed, w_flat)
    return (h_e, r_e, pos_t_e, neg_t_e)

# --- scband reference (transcript-rebuilt; emitter-appended) ---
"""Pipeline reference for scband-kgat-64330020159802 (READ-ONLY COPY).

The authoritative reference and input builder live on the scoring server;
editing this copy changes nothing except your own understanding.
"""

import jax, jax.numpy as jnp
import numpy as np

N_USERS = 50000
N_ENTITIES = 100000
N_RELATIONS = 64
EMB_DIM = 64
KGE_DIM = 64
B = 16384


def setup_inputs(seed: int = 0) -> dict:
    key = jax.random.key(seed)
    ks = jax.random.split(key, 8)
    heads = jax.random.randint(ks[0], (B,), 0, N_USERS + N_ENTITIES, dtype=jnp.int64 if jax.config.jax_enable_x64 else jnp.int32).astype(jnp.int32)
    relations = jax.random.randint(ks[1], (B,), 0, N_RELATIONS).astype(jnp.int32)
    pos_tails = jax.random.randint(ks[2], (B,), 0, N_USERS + N_ENTITIES).astype(jnp.int32)
    neg_tails = jax.random.randint(ks[3], (B,), 0, N_USERS + N_ENTITIES).astype(jnp.int32)
    # learned parameters (xavier-like scale)
    user_embed = jax.random.normal(ks[4], (N_USERS, EMB_DIM), dtype=jnp.float32) * 0.05
    entity_embed = jax.random.normal(ks[5], (N_ENTITIES, EMB_DIM), dtype=jnp.float32) * 0.05
    relation_embed = jax.random.normal(ks[6], (N_RELATIONS, KGE_DIM), dtype=jnp.float32) * 0.05
    trans_W = jax.random.normal(ks[7], (N_RELATIONS, EMB_DIM, KGE_DIM), dtype=jnp.float32) * 0.05
    return {
        "heads": heads,
        "relations": relations,
        "pos_tails": pos_tails,
        "neg_tails": neg_tails,
        "user_embed": user_embed,
        "entity_embed": entity_embed,
        "relation_embed": relation_embed,
        "trans_W": trans_W,
    }


def reference(heads, relations, pos_tails, neg_tails, user_embed, entity_embed, relation_embed, trans_W):
    # KGAT._get_kg_inference (forward mode='kge', TransR projection)
    embeddings = jnp.concatenate([user_embed, entity_embed], axis=0)  # [n_users+n_entities, emb]
    h_e = jnp.take(embeddings, heads, axis=0)        # [B, emb]
    pos_t_e = jnp.take(embeddings, pos_tails, axis=0)
    neg_t_e = jnp.take(embeddings, neg_tails, axis=0)
    r_e = jnp.take(relation_embed, relations, axis=0)  # [B, kge]
    trans_M = jnp.take(trans_W, relations, axis=0)     # [B, emb, kge]
    # torch.bmm(h_e.unsqueeze(1), trans_M).squeeze(1)
    h_e = jnp.einsum('bd,bdk->bk', h_e, trans_M)
    pos_t_e = jnp.einsum('bd,bdk->bk', pos_t_e, trans_M)
    neg_t_e = jnp.einsum('bd,bdk->bk', neg_t_e, trans_M)
    return (h_e, r_e, pos_t_e, neg_t_e)

if __name__ == "__main__":
    import jax
    _d = setup_inputs()
    print(jax.jit(kernel)(*tuple(_d.values())))

</pallas_src>

<mosaic_0001>
#map = affine_map<(d0, d1) -> (0, 0)>
module attributes {stable_mosaic.version = 14 : i64} {
  func.func @_sc_gather_body(%arg0: i32, %arg1: i32, %arg2: memref<128x128xi32, #tpu.memory_space<hbm>>, %arg3: memref<128x128xi32, #tpu.memory_space<hbm>>, %arg4: memref<128x128xi32, #tpu.memory_space<hbm>>, %arg5: memref<150000x64xbf16, #tpu.memory_space<hbm>>, %arg6: memref<16384x64xbf16, #tpu.memory_space<hbm>>, %arg7: memref<16384x64xbf16, #tpu.memory_space<hbm>>, %arg8: memref<16384x64xbf16, #tpu.memory_space<hbm>>, %arg9: memref<3x4x128xi32, #tpu.memory_space<vmem>>, %arg10: memref<3x512x64xbf16, #tpu.memory_space<vmem>>, %arg11: memref<!tpu.dma_semaphore, #tpu.memory_space<semaphore_mem>>, %arg12: memref<!tpu.dma_semaphore, #tpu.memory_space<semaphore_mem>>, %arg13: memref<!tpu.dma_semaphore, #tpu.memory_space<semaphore_mem>>, %arg14: memref<!tpu.dma_semaphore, #tpu.memory_space<semaphore_mem>>, %arg15: memref<!tpu.dma_semaphore, #tpu.memory_space<semaphore_mem>>, %arg16: memref<!tpu.dma_semaphore, #tpu.memory_space<semaphore_mem>>) attributes {dimension_semantics = [#tpu.dimension_semantics<core_parallel>, #tpu.dimension_semantics<subcore_parallel>], iteration_bounds = array<i64: 2, 16>, scalar_prefetch = 0 : i64, scratch_operands = 8 : i64, tpu.core_type = #tpu.core_type<sc_vector_subcore>, window_params = [{transform_indices = #map}, {transform_indices = #map}, {transform_indices = #map}, {transform_indices = #map}, {transform_indices = #map}, {transform_indices = #map}, {transform_indices = #map}]} {
    %mul3A = arith.constant 2 : i32
    %mul3A_0 = arith.muli %arg1, %mul3A : i32
    %add3A = arith.addi %mul3A_0, %arg0 : i32
    %mul3A_1 = arith.constant 512 : i32
    %mul3A_2 = arith.muli %add3A, %mul3A_1 : i32
    %mul3A_3 = arith.constant 4 : i32
    %mul3A_4 = arith.muli %add3A, %mul3A_3 : i32
    %run_scoped3A = arith.constant 0 : i32
    "tpu.region"() ({
      %run_scoped3A_563 = tpu.sem_alloc : memref<!tpu.dma_semaphore, #tpu.memory_space<semaphore_mem>>
      %dma_start3A_564 = arith.constant 0 : i32
      %dma_start3A_565 = arith.constant 0 : i32
      %dma_start3A_566 = tpu.memref_slice %arg9[%run_scoped3A, %dma_start3A_564, %dma_start3A_565] : memref<3x4x128xi32, #tpu.memory_space<vmem>> -> memref<1x4x128xi32, #tpu.memory_space<vmem>>
      %dma_start3A_567 = tpu.memref_squeeze %dma_start3A_566 : memref<1x4x128xi32, #tpu.memory_space<vmem>> -> memref<4x128xi32, #tpu.memory_space<vmem>>
      %dma_start3A_568 = arith.constant 0 : i32
      %dma_start3A_569 = tpu.memref_slice %arg2[%mul3A_4, %dma_start3A_568] : memref<128x128xi32, #tpu.memory_space<hbm>> -> memref<4x128xi32, #tpu.memory_space<hbm>>
      %dma_start3A_570 = arith.constant 0 : i32
      %dma_start3A_571 = arith.constant 0 : i32
      %dma_start3A_572 = tpu.memref_slice %arg9[%run_scoped3A, %dma_start3A_570, %dma_start3A_571] : memref<3x4x128xi32, #tpu.memory_space<vmem>> -> memref<1x4x128xi32, #tpu.memory_space<vmem>>
      %dma_start3A_573 = tpu.memref_squeeze %dma_start3A_572 : memref<1x4x128xi32, #tpu.memory_space<vmem>> -> memref<4x128xi32, #tpu.memory_space<vmem>>
      %dma_start3A_574 = arith.constant 0 : i32
      %dma_start3A_575 = tpu.memref_slice %arg2[%mul3A_4, %dma_start3A_574] : memref<128x128xi32, #tpu.memory_space<hbm>> -> memref<4x128xi32, #tpu.memory_space<hbm>>
      tpu.enqueue_dma source(%dma_start3A_575 : memref<4x128xi32, #tpu.memory_space<hbm>>) target(%dma_start3A_573 : memref<4x128xi32, #tpu.memory_space<vmem>>) target_semaphore(%run_scoped3A_563 : memref<!tpu.dma_semaphore, #tpu.memory_space<semaphore_mem>>)
      %dma_wait3A_576 = arith.constant 0 : i32
      %dma_wait3A_577 = arith.constant 0 : i32
      %dma_wait3A_578 = tpu.memref_slice %arg9[%run_scoped3A, %dma_wait3A_576, %dma_wait3A_577] : memref<3x4x128xi32, #tpu.memory_space<vmem>> -> memref<1x4x128xi32, #tpu.memory_space<vmem>>
      %dma_wait3A_579 = tpu.memref_squeeze %dma_wait3A_578 : memref<1x4x128xi32, #tpu.memory_space<vmem>> -> memref<4x128xi32, #tpu.memory_space<vmem>>
      %dma_wait3A_580 = arith.constant 0 : i32
      %dma_wait3A_581 = tpu.memref_slice %arg2[%mul3A_4, %dma_wait3A_580] : memref<128x128xi32, #tpu.memory_space<hbm>> -> memref<4x128xi32, #tpu.memory_space<hbm>>
      %dma_wait3A_582 = arith.constant 0 : i32
      %dma_wait3A_583 = arith.constant 0 : i32
      %dma_wait3A_584 = tpu.memref_slice %arg9[%run_scoped3A, %dma_wait3A_582, %dma_wait3A_583] : memref<3x4x128xi32, #tpu.memory_space<vmem>> -> memref<1x4x128xi32, #tpu.memory_space<vmem>>
      %dma_wait3A_585 = tpu.memref_squeeze %dma_wait3A_584 : memref<1x4x128xi32, #tpu.memory_space<vmem>> -> memref<4x128xi32, #tpu.memory_space<vmem>>
      %dma_wait3A_586 = arith.constant 0 : i32
      %dma_wait3A_587 = tpu.memref_slice %arg2[%mul3A_4, %dma_wait3A_586] : memref<128x128xi32, #tpu.memory_space<hbm>> -> memref<4x128xi32, #tpu.memory_space<hbm>>
      tpu.wait_dma2 semaphore(%run_scoped3A_563 : memref<!tpu.dma_semaphore, #tpu.memory_space<semaphore_mem>>) src(%dma_wait3A_587 : memref<4x128xi32, #tpu.memory_space<hbm>>) dst(%dma_wait3A_585 : memref<4x128xi32, #tpu.memory_space<vmem>>)
      tpu.yield
    }) : () -> ()
    %run_scoped3A_5 = arith.constant 1 : i32
    "tpu.region"() ({
      %run_scoped3A_563 = tpu.sem_alloc : memref<!tpu.dma_semaphore, #tpu.memory_space<semaphore_mem>>
      %dma_start3A_564 = arith.constant 0 : i32
      %dma_start3A_565 = arith.constant 0 : i32
      %dma_start3A_566 = tpu.memref_slice %arg9[%run_scoped3A_5, %dma_start3A_564, %dma_start3A_565] : memref<3x4x128xi32, #tpu.memory_space<vmem>> -> memref<1x4x128xi32, #tpu.memory_space<vmem>>
      %dma_start3A_567 = tpu.memref_squeeze %dma_start3A_566 : memref<1x4x128xi32, #tpu.memory_space<vmem>> -> memref<4x128xi32, #tpu.memory_space<vmem>>
      %dma_start3A_568 = arith.constant 0 : i32
      %dma_start3A_569 = tpu.memref_slice %arg3[%mul3A_4, %dma_start3A_568] : memref<128x128xi32, #tpu.memory_space<hbm>> -> memref<4x128xi32, #tpu.memory_space<hbm>>
      %dma_start3A_570 = arith.constant 0 : i32
      %dma_start3A_571 = arith.constant 0 : i32
      %dma_start3A_572 = tpu.memref_slice %arg9[%run_scoped3A_5, %dma_start3A_570, %dma_start3A_571] : memref<3x4x128xi32, #tpu.memory_space<vmem>> -> memref<1x4x128xi32, #tpu.memory_space<vmem>>
      %dma_start3A_573 = tpu.memref_squeeze %dma_start3A_572 : memref<1x4x128xi32, #tpu.memory_space<vmem>> -> memref<4x128xi32, #tpu.memory_space<vmem>>
      %dma_start3A_574 = arith.constant 0 : i32
      %dma_start3A_575 = tpu.memref_slice %arg3[%mul3A_4, %dma_start3A_574] : memref<128x128xi32, #tpu.memory_space<hbm>> -> memref<4x128xi32, #tpu.memory_space<hbm>>
      tpu.enqueue_dma source(%dma_start3A_575 : memref<4x128xi32, #tpu.memory_space<hbm>>) target(%dma_start3A_573 : memref<4x128xi32, #tpu.memory_space<vmem>>) target_semaphore(%run_scoped3A_563 : memref<!tpu.dma_semaphore, #tpu.memory_space<semaphore_mem>>)
      %dma_wait3A_576 = arith.constant 0 : i32
      %dma_wait3A_577 = arith.constant 0 : i32
      %dma_wait3A_578 = tpu.memref_slice %arg9[%run_scoped3A_5, %dma_wait3A_576, %dma_wait3A_577] : memref<3x4x128xi32, #tpu.memory_space<vmem>> -> memref<1x4x128xi32, #tpu.memory_space<vmem>>
      %dma_wait3A_579 = tpu.memref_squeeze %dma_wait3A_578 : memref<1x4x128xi32, #tpu.memory_space<vmem>> -> memref<4x128xi32, #tpu.memory_space<vmem>>
      %dma_wait3A_580 = arith.constant 0 : i32
      %dma_wait3A_581 = tpu.memref_slice %arg3[%mul3A_4, %dma_wait3A_580] : memref<128x128xi32, #tpu.memory_space<hbm>> -> memref<4x128xi32, #tpu.memory_space<hbm>>
      %dma_wait3A_582 = arith.constant 0 : i32
      %dma_wait3A_583 = arith.constant 0 : i32
      %dma_wait3A_584 = tpu.memref_slice %arg9[%run_scoped3A_5, %dma_wait3A_582, %dma_wait3A_583] : memref<3x4x128xi32, #tpu.memory_space<vmem>> -> memref<1x4x128xi32, #tpu.memory_space<vmem>>
      %dma_wait3A_585 = tpu.memref_squeeze %dma_wait3A_584 : memref<1x4x128xi32, #tpu.memory_space<vmem>> -> memref<4x128xi32, #tpu.memory_space<vmem>>
      %dma_wait3A_586 = arith.constant 0 : i32
      %dma_wait3A_587 = tpu.memref_slice %arg3[%mul3A_4, %dma_wait3A_586] : memref<128x128xi32, #tpu.memory_space<hbm>> -> memref<4x128xi32, #tpu.memory_space<hbm>>
      tpu.wait_dma2 semaphore(%run_scoped3A_563 : memref<!tpu.dma_semaphore, #tpu.memory_space<semaphore_mem>>) src(%dma_wait3A_587 : memref<4x128xi32, #tpu.memory_space<hbm>>) dst(%dma_wait3A_585 : memref<4x128xi32, #tpu.memory_space<vmem>>)
      tpu.yield
    }) : () -> ()
    %run_scoped3A_6 = arith.constant 2 : i32
    "tpu.region"() ({
      %run_scoped3A_563 = tpu.sem_alloc : memref<!tpu.dma_semaphore, #tpu.memory_space<semaphore_mem>>
      %dma_start3A_564 = arith.constant 0 : i32
      %dma_start3A_565 = arith.constant 0 : i32
      %dma_start3A_566 = tpu.memref_slice %arg9[%run_scoped3A_6, %dma_start3A_564, %dma_start3A_565] : memref<3x4x128xi32, #tpu.memory_space<vmem>> -> memref<1x4x128xi32, #tpu.memory_space<vmem>>
      %dma_start3A_567 = tpu.memref_squeeze %dma_start3A_566 : memref<1x4x128xi32, #tpu.memory_space<vmem>> -> memref<4x128xi32, #tpu.memory_space<vmem>>
      %dma_start3A_568 = arith.constant 0 : i32
      %dma_start3A_569 = tpu.memref_slice %arg4[%mul3A_4, %dma_start3A_568] : memref<128x128xi32, #tpu.memory_space<hbm>> -> memref<4x128xi32, #tpu.memory_space<hbm>>
      %dma_start3A_570 = arith.constant 0 : i32
      %dma_start3A_571 = arith.constant 0 : i32
      %dma_start3A_572 = tpu.memref_slice %arg9[%run_scoped3A_6, %dma_start3A_570, %dma_start3A_571] : memref<3x4x128xi32, #tpu.memory_space<vmem>> -> memref<1x4x128xi32, #tpu.memory_space<vmem>>
      %dma_start3A_573 = tpu.memref_squeeze %dma_start3A_572 : memref<1x4x128xi32, #tpu.memory_space<vmem>> -> memref<4x128xi32, #tpu.memory_space<vmem>>
      %dma_start3A_574 = arith.constant 0 : i32
      %dma_start3A_575 = tpu.memref_slice %arg4[%mul3A_4, %dma_start3A_574] : memref<128x128xi32, #tpu.memory_space<hbm>> -> memref<4x128xi32, #tpu.memory_space<hbm>>
      tpu.enqueue_dma source(%dma_start3A_575 : memref<4x128xi32, #tpu.memory_space<hbm>>) target(%dma_start3A_573 : memref<4x128xi32, #tpu.memory_space<vmem>>) target_semaphore(%run_scoped3A_563 : memref<!tpu.dma_semaphore, #tpu.memory_space<semaphore_mem>>)
      %dma_wait3A_576 = arith.constant 0 : i32
      %dma_wait3A_577 = arith.constant 0 : i32
      %dma_wait3A_578 = tpu.memref_slice %arg9[%run_scoped3A_6, %dma_wait3A_576, %dma_wait3A_577] : memref<3x4x128xi32, #tpu.memory_space<vmem>> -> memref<1x4x128xi32, #tpu.memory_space<vmem>>
      %dma_wait3A_579 = tpu.memref_squeeze %dma_wait3A_578 : memref<1x4x128xi32, #tpu.memory_space<vmem>> -> memref<4x128xi32, #tpu.memory_space<vmem>>
      %dma_wait3A_580 = arith.constant 0 : i32
      %dma_wait3A_581 = tpu.memref_slice %arg4[%mul3A_4, %dma_wait3A_580] : memref<128x128xi32, #tpu.memory_space<hbm>> -> memref<4x128xi32, #tpu.memory_space<hbm>>
      %dma_wait3A_582 = arith.constant 0 : i32
      %dma_wait3A_583 = arith.constant 0 : i32
      %dma_wait3A_584 = tpu.memref_slice %arg9[%run_scoped3A_6, %dma_wait3A_582, %dma_wait3A_583] : memref<3x4x128xi32, #tpu.memory_space<vmem>> -> memref<1x4x128xi32, #tpu.memory_space<vmem>>
      %dma_wait3A_585 = tpu.memref_squeeze %dma_wait3A_584 : memref<1x4x128xi32, #tpu.memory_space<vmem>> -> memref<4x128xi32, #tpu.memory_space<vmem>>
      %dma_wait3A_586 = arith.constant 0 : i32
      %dma_wait3A_587 = tpu.memref_slice %arg4[%mul3A_4, %dma_wait3A_586] : memref<128x128xi32, #tpu.memory_space<hbm>> -> memref<4x128xi32, #tpu.memory_space<hbm>>
      tpu.wait_dma2 semaphore(%run_scoped3A_563 : memref<!tpu.dma_semaphore, #tpu.memory_space<semaphore_mem>>) src(%dma_wait3A_587 : memref<4x128xi32, #tpu.memory_space<hbm>>) dst(%dma_wait3A_585 : memref<4x128xi32, #tpu.memory_space<vmem>>)
      tpu.yield
    }) : () -> ()
    %dma_start3A = arith.constant 0 : i32
    %dma_start3A_7 = arith.constant 0 : i32
    %dma_start3A_8 = arith.constant 0 : i32
    %dma_start3A_9 = arith.constant 0 : i32
    %dma_start3A_10 = arith.constant 0 : i32
    %dma_start3A_11 = tpu.memref_slice %arg10[%dma_start3A_8, %dma_start3A_9, %dma_start3A_10] : memref<3x512x64xbf16, #tpu.memory_space<vmem>> -> memref<1x512x64xbf16, #tpu.memory_space<vmem>>
    %dma_start3A_12 = tpu.memref_squeeze %dma_start3A_11 : memref<1x512x64xbf16, #tpu.memory_space<vmem>> -> memref<512x64xbf16, #tpu.memory_space<vmem>>
    %dma_start3A_13 = arith.constant 0 : i32
    %dma_start3A_14 = arith.constant 0 : i32
    %dma_start3A_15 = tpu.memref_slice %dma_start3A_12[%dma_start3A_13, %dma_start3A_14] : memref<512x64xbf16, #tpu.memory_space<vmem>> -> memref<128x64xbf16, #tpu.memory_space<vmem>>
    %dma_start3A_16 = arith.constant 0 : i32
    %dma_start3A_17 = arith.constant 0 : i32
    %dma_start3A_18 = tpu.memref_slice %arg9[%dma_start3A, %dma_start3A_16, %dma_start3A_17] : memref<3x4x128xi32, #tpu.memory_space<vmem>> -> memref<1x4x128xi32, #tpu.memory_space<vmem>>
    %dma_start3A_19 = tpu.memref_squeeze %dma_start3A_18 : memref<1x4x128xi32, #tpu.memory_space<vmem>> -> memref<4x128xi32, #tpu.memory_space<vmem>>
    %dma_start3A_20 = arith.constant 0 : i32
    %dma_start3A_21 = tpu.memref_slice %dma_start3A_19[%dma_start3A_7, %dma_start3A_20] : memref<4x128xi32, #tpu.memory_space<vmem>> -> memref<1x128xi32, #tpu.memory_space<vmem>>
    %dma_start3A_22 = tpu.memref_squeeze %dma_start3A_21 : memref<1x128xi32, #tpu.memory_space<vmem>> -> memref<128xi32, #tpu.memory_space<vmem>>
    %dma_start3A_23 = arith.constant 0 : i32
    %dma_start3A_24 = arith.constant 0 : i32
    %dma_start3A_25 = tpu.memref_slice %arg5[%dma_start3A_23, %dma_start3A_24] : memref<150000x64xbf16, #tpu.memory_space<hbm>> -> memref<150000x64xbf16, #tpu.memory_space<hbm>>
    tpu.enqueue_indirect_dma source(%dma_start3A_25 : memref<150000x64xbf16, #tpu.memory_space<hbm>>) target(%dma_start3A_15 : memref<128x64xbf16, #tpu.memory_space<vmem>>) offsets(%dma_start3A_22 : memref<128xi32, #tpu.memory_space<vmem>>) semaphore(%arg11 : memref<!tpu.dma_semaphore, #tpu.memory_space<semaphore_mem>>)
    %dma_start3A_26 = arith.constant 0 : i32
    %dma_start3A_27 = arith.constant 1 : i32
    %dma_start3A_28 = arith.constant 0 : i32
    %dma_start3A_29 = arith.constant 0 : i32
    %dma_start3A_30 = arith.constant 0 : i32
    %dma_start3A_31 = tpu.memref_slice %arg10[%dma_start3A_28, %dma_start3A_29, %dma_start3A_30] : memref<3x512x64xbf16, #tpu.memory_space<vmem>> -> memref<1x512x64xbf16, #tpu.memory_space<vmem>>
    %dma_start3A_32 = tpu.memref_squeeze %dma_start3A_31 : memref<1x512x64xbf16, #tpu.memory_space<vmem>> -> memref<512x64xbf16, #tpu.memory_space<vmem>>
    %dma_start3A_33 = arith.constant 128 : i32
    %dma_start3A_34 = arith.constant 0 : i32
    %dma_start3A_35 = tpu.memref_slice %dma_start3A_32[%dma_start3A_33, %dma_start3A_34] : memref<512x64xbf16, #tpu.memory_space<vmem>> -> memref<128x64xbf16, #tpu.memory_space<vmem>>
    %dma_start3A_36 = arith.constant 0 : i32
    %dma_start3A_37 = arith.constant 0 : i32
    %dma_start3A_38 = tpu.memref_slice %arg9[%dma_start3A_26, %dma_start3A_36, %dma_start3A_37] : memref<3x4x128xi32, #tpu.memory_space<vmem>> -> memref<1x4x128xi32, #tpu.memory_space<vmem>>
    %dma_start3A_39 = tpu.memref_squeeze %dma_start3A_38 : memref<1x4x128xi32, #tpu.memory_space<vmem>> -> memref<4x128xi32, #tpu.memory_space<vmem>>
    %dma_start3A_40 = arith.constant 0 : i32
    %dma_start3A_41 = tpu.memref_slice %dma_start3A_39[%dma_start3A_27, %dma_start3A_40] : memref<4x128xi32, #tpu.memory_space<vmem>> -> memref<1x128xi32, #tpu.memory_space<vmem>>
    %dma_start3A_42 = tpu.memref_squeeze %dma_start3A_41 : memref<1x128xi32, #tpu.memory_space<vmem>> -> memref<128xi32, #tpu.memory_space<vmem>>
    %dma_start3A_43 = arith.constant 0 : i32
    %dma_start3A_44 = arith.constant 0 : i32
    %dma_start3A_45 = tpu.memref_slice %arg5[%dma_start3A_43, %dma_start3A_44] : memref<150000x64xbf16, #tpu.memory_space<hbm>> -> memref<150000x64xbf16, #tpu.memory_space<hbm>>
    tpu.enqueue_indirect_dma source(%dma_start3A_45 : memref<150000x64xbf16, #tpu.memory_space<hbm>>) target(%dma_start3A_35 : memref<128x64xbf16, #tpu.memory_space<vmem>>) offsets(%dma_start3A_42 : memref<128xi32, #tpu.memory_space<vmem>>) semaphore(%arg11 : memref<!tpu.dma_semaphore, #tpu.memory_space<semaphore_mem>>)
    %dma_start3A_46 = arith.constant 0 : i32
    %dma_start3A_47 = arith.constant 2 : i32
    %dma_start3A_48 = arith.constant 0 : i32
    %dma_start3A_49 = arith.constant 0 : i32
    %dma_start3A_50 = arith.constant 0 : i32
    %dma_start3A_51 = tpu.memref_slice %arg10[%dma_start3A_48, %dma_start3A_49, %dma_start3A_50] : memref<3x512x64xbf16, #tpu.memory_space<vmem>> -> memref<1x512x64xbf16, #tpu.memory_space<vmem>>
    %dma_start3A_52 = tpu.memref_squeeze %dma_start3A_51 : memref<1x512x64xbf16, #tpu.memory_space<vmem>> -> memref<512x64xbf16, #tpu.memory_space<vmem>>
    %dma_start3A_53 = arith.constant 256 : i32
    %dma_start3A_54 = arith.constant 0 : i32
    %dma_start3A_55 = tpu.memref_slice %dma_start3A_52[%dma_start3A_53, %dma_start3A_54] : memref<512x64xbf16, #tpu.memory_space<vmem>> -> memref<128x64xbf16, #tpu.memory_space<vmem>>
    %dma_start3A_56 = arith.constant 0 : i32
    %dma_start3A_57 = arith.constant 0 : i32
    %dma_start3A_58 = tpu.memref_slice %arg9[%dma_start3A_46, %dma_start3A_56, %dma_start3A_57] : memref<3x4x128xi32, #tpu.memory_space<vmem>> -> memref<1x4x128xi32, #tpu.memory_space<vmem>>
    %dma_start3A_59 = tpu.memref_squeeze %dma_start3A_58 : memref<1x4x128xi32, #tpu.memory_space<vmem>> -> memref<4x128xi32, #tpu.memory_space<vmem>>
    %dma_start3A_60 = arith.constant 0 : i32
    %dma_start3A_61 = tpu.memref_slice %dma_start3A_59[%dma_start3A_47, %dma_start3A_60] : memref<4x128xi32, #tpu.memory_space<vmem>> -> memref<1x128xi32, #tpu.memory_space<vmem>>
    %dma_start3A_62 = tpu.memref_squeeze %dma_start3A_61 : memref<1x128xi32, #tpu.memory_space<vmem>> -> memref<128xi32, #tpu.memory_space<vmem>>
    %dma_start3A_63 = arith.constant 0 : i32
    %dma_start3A_64 = arith.constant 0 : i32
    %dma_start3A_65 = tpu.memref_slice %arg5[%dma_start3A_63, %dma_start3A_64] : memref<150000x64xbf16, #tpu.memory_space<hbm>> -> memref<150000x64xbf16, #tpu.memory_space<hbm>>
    tpu.enqueue_indirect_dma source(%dma_start3A_65 : memref<150000x64xbf16, #tpu.memory_space<hbm>>) target(%dma_start3A_55 : memref<128x64xbf16, #tpu.memory_space<vmem>>) offsets(%dma_start3A_62 : memref<128xi32, #tpu.memory_space<vmem>>) semaphore(%arg11 : memref<!tpu.dma_semaphore, #tpu.memory_space<semaphore_mem>>)
    %dma_start3A_66 = arith.constant 0 : i32
    %dma_start3A_67 = arith.constant 3 : i32
    %dma_start3A_68 = arith.constant 0 : i32
    %dma_start3A_69 = arith.constant 0 : i32
    %dma_start3A_70 = arith.constant 0 : i32
    %dma_start3A_71 = tpu.memref_slice %arg10[%dma_start3A_68, %dma_start3A_69, %dma_start3A_70] : memref<3x512x64xbf16, #tpu.memory_space<vmem>> -> memref<1x512x64xbf16, #tpu.memory_space<vmem>>
    %dma_start3A_72 = tpu.memref_squeeze %dma_start3A_71 : memref<1x512x64xbf16, #tpu.memory_space<vmem>> -> memref<512x64xbf16, #tpu.memory_space<vmem>>
    %dma_start3A_73 = arith.constant 384 : i32
    %dma_start3A_74 = arith.constant 0 : i32
    %dma_start3A_75 = tpu.memref_slice %dma_start3A_72[%dma_start3A_73, %dma_start3A_74] : memref<512x64xbf16, #tpu.memory_space<vmem>> -> memref<128x64xbf16, #tpu.memory_space<vmem>>
    %dma_start3A_76 = arith.constant 0 : i32
    %dma_start3A_77 = arith.constant 0 : i32
    %dma_start3A_78 = tpu.memref_slice %arg9[%dma_start3A_66, %dma_start3A_76, %dma_start3A_77] : memref<3x4x128xi32, #tpu.memory_space<vmem>> -> memref<1x4x128xi32, #tpu.memory_space<vmem>>
    %dma_start3A_79 = tpu.memref_squeeze %dma_start3A_78 : memref<1x4x128xi32, #tpu.memory_space<vmem>> -> memref<4x128xi32, #tpu.memory_space<vmem>>
    %dma_start3A_80 = arith.constant 0 : i32
    %dma_start3A_81 = tpu.memref_slice %dma_start3A_79[%dma_start3A_67, %dma_start3A_80] : memref<4x128xi32, #tpu.memory_space<vmem>> -> memref<1x128xi32, #tpu.memory_space<vmem>>
    %dma_start3A_82 = tpu.memref_squeeze %dma_start3A_81 : memref<1x128xi32, #tpu.memory_space<vmem>> -> memref<128xi32, #tpu.memory_space<vmem>>
    %dma_start3A_83 = arith.constant 0 : i32
    %dma_start3A_84 = arith.constant 0 : i32
    %dma_start3A_85 = tpu.memref_slice %arg5[%dma_start3A_83, %dma_start3A_84] : memref<150000x64xbf16, #tpu.memory_space<hbm>> -> memref<150000x64xbf16, #tpu.memory_space<hbm>>
    tpu.enqueue_indirect_dma source(%dma_start3A_85 : memref<150000x64xbf16, #tpu.memory_space<hbm>>) target(%dma_start3A_75 : memref<128x64xbf16, #tpu.memory_space<vmem>>) offsets(%dma_start3A_82 : memref<128xi32, #tpu.memory_space<vmem>>) semaphore(%arg11 : memref<!tpu.dma_semaphore, #tpu.memory_space<semaphore_mem>>)
    %dma_start3A_86 = arith.constant 1 : i32
    %dma_start3A_87 = arith.constant 0 : i32
    %dma_start3A_88 = arith.constant 1 : i32
    %dma_start3A_89 = arith.constant 0 : i32
    %dma_start3A_90 = arith.constant 0 : i32
    %dma_start3A_91 = tpu.memref_slice %arg10[%dma_start3A_88, %dma_start3A_89, %dma_start3A_90] : memref<3x512x64xbf16, #tpu.memory_space<vmem>> -> memref<1x512x64xbf16, #tpu.memory_space<vmem>>
    %dma_start3A_92 = tpu.memref_squeeze %dma_start3A_91 : memref<1x512x64xbf16, #tpu.memory_space<vmem>> -> memref<512x64xbf16, #tpu.memory_space<vmem>>
    %dma_start3A_93 = arith.constant 0 : i32
    %dma_start3A_94 = arith.constant 0 : i32
    %dma_start3A_95 = tpu.memref_slice %dma_start3A_92[%dma_start3A_93, %dma_start3A_94] : memref<512x64xbf16, #tpu.memory_space<vmem>> -> memref<128x64xbf16, #tpu.memory_space<vmem>>
    %dma_start3A_96 = arith.constant 0 : i32
    %dma_start3A_97 = arith.constant 0 : i32
    %dma_start3A_98 = tpu.memref_slice %arg9[%dma_start3A_86, %dma_start3A_96, %dma_start3A_97] : memref<3x4x128xi32, #tpu.memory_space<vmem>> -> memref<1x4x128xi32, #tpu.memory_space<vmem>>
    %dma_start3A_99 = tpu.memref_squeeze %dma_start3A_98 : memref<1x4x128xi32, #tpu.memory_space<vmem>> -> memref<4x128xi32, #tpu.memory_space<vmem>>
    %dma_start3A_100 = arith.constant 0 : i32
    %dma_start3A_101 = tpu.memref_slice %dma_start3A_99[%dma_start3A_87, %dma_start3A_100] : memref<4x128xi32, #tpu.memory_space<vmem>> -> memref<1x128xi32, #tpu.memory_space<vmem>>
    %dma_start3A_102 = tpu.memref_squeeze %dma_start3A_101 : memref<1x128xi32, #tpu.memory_space<vmem>> -> memref<128xi32, #tpu.memory_space<vmem>>
    %dma_start3A_103 = arith.constant 0 : i32
    %dma_start3A_104 = arith.constant 0 : i32
    %dma_start3A_105 = tpu.memref_slice %arg5[%dma_start3A_103, %dma_start3A_104] : memref<150000x64xbf16, #tpu.memory_space<hbm>> -> memref<150000x64xbf16, #tpu.memory_space<hbm>>
    tpu.enqueue_indirect_dma source(%dma_start3A_105 : memref<150000x64xbf16, #tpu.memory_space<hbm>>) target(%dma_start3A_95 : memref<128x64xbf16, #tpu.memory_space<vmem>>) offsets(%dma_start3A_102 : memref<128xi32, #tpu.memory_space<vmem>>) semaphore(%arg12 : memref<!tpu.dma_semaphore, #tpu.memory_space<semaphore_mem>>)
    %dma_start3A_106 = arith.constant 1 : i32
    %dma_start3A_107 = arith.constant 1 : i32
    %dma_start3A_108 = arith.constant 1 : i32
    %dma_start3A_109 = arith.constant 0 : i32
    %dma_start3A_110 = arith.constant 0 : i32
    %dma_start3A_111 = tpu.memref_slice %arg10[%dma_start3A_108, %dma_start3A_109, %dma_start3A_110] : memref<3x512x64xbf16, #tpu.memory_space<vmem>> -> memref<1x512x64xbf16, #tpu.memory_space<vmem>>
    %dma_start3A_112 = tpu.memref_squeeze %dma_start3A_111 : memref<1x512x64xbf16, #tpu.memory_space<vmem>> -> memref<512x64xbf16, #tpu.memory_space<vmem>>
    %dma_start3A_113 = arith.constant 128 : i32
    %dma_start3A_114 = arith.constant 0 : i32
    %dma_start3A_115 = tpu.memref_slice %dma_start3A_112[%dma_start3A_113, %dma_start3A_114] : memref<512x64xbf16, #tpu.memory_space<vmem>> -> memref<128x64xbf16, #tpu.memory_space<vmem>>
    %dma_start3A_116 = arith.constant 0 : i32
    %dma_start3A_117 = arith.constant 0 : i32
    %dma_start3A_118 = tpu.memref_slice %arg9[%dma_start3A_106, %dma_start3A_116, %dma_start3A_117] : memref<3x4x128xi32, #tpu.memory_space<vmem>> -> memref<1x4x128xi32, #tpu.memory_space<vmem>>
    %dma_start3A_119 = tpu.memref_squeeze %dma_start3A_118 : memref<1x4x128xi32, #tpu.memory_space<vmem>> -> memref<4x128xi32, #tpu.memory_space<vmem>>
    %dma_start3A_120 = arith.constant 0 : i32
    %dma_start3A_121 = tpu.memref_slice %dma_start3A_119[%dma_start3A_107, %dma_start3A_120] : memref<4x128xi32, #tpu.memory_space<vmem>> -> memref<1x128xi32, #tpu.memory_space<vmem>>
    %dma_start3A_122 = tpu.memref_squeeze %dma_start3A_121 : memref<1x128xi32, #tpu.memory_space<vmem>> -> memref<128xi32, #tpu.memory_space<vmem>>
    %dma_start3A_123 = arith.constant 0 : i32
    %dma_start3A_124 = arith.constant 0 : i32
    %dma_start3A_125 = tpu.memref_slice %arg5[%dma_start3A_123, %dma_start3A_124] : memref<150000x64xbf16, #tpu.memory_space<hbm>> -> memref<150000x64xbf16, #tpu.memory_space<hbm>>
    tpu.enqueue_indirect_dma source(%dma_start3A_125 : memref<150000x64xbf16, #tpu.memory_space<hbm>>) target(%dma_start3A_115 : memref<128x64xbf16, #tpu.memory_space<vmem>>) offsets(%dma_start3A_122 : memref<128xi32, #tpu.memory_space<vmem>>) semaphore(%arg12 : memref<!tpu.dma_semaphore, #tpu.memory_space<semaphore_mem>>)
    %dma_start3A_126 = arith.constant 1 : i32
    %dma_start3A_127 = arith.constant 2 : i32
    %dma_start3A_128 = arith.constant 1 : i32
    %dma_start3A_129 = arith.constant 0 : i32
    %dma_start3A_130 = arith.constant 0 : i32
    %dma_start3A_131 = tpu.memref_slice %arg10[%dma_start3A_128, %dma_start3A_129, %dma_start3A_130] : memref<3x512x64xbf16, #tpu.memory_space<vmem>> -> memref<1x512x64xbf16, #tpu.memory_space<vmem>>
    %dma_start3A_132 = tpu.memref_squeeze %dma_start3A_131 : memref<1x512x64xbf16, #tpu.memory_space<vmem>> -> memref<512x64xbf16, #tpu.memory_space<vmem>>
    %dma_start3A_133 = arith.constant 256 : i32
    %dma_start3A_134 = arith.constant 0 : i32
    %dma_start3A_135 = tpu.memref_slice %dma_start3A_132[%dma_start3A_133, %dma_start3A_134] : memref<512x64xbf16, #tpu.memory_space<vmem>> -> memref<128x64xbf16, #tpu.memory_space<vmem>>
    %dma_start3A_136 = arith.constant 0 : i32
    %dma_start3A_137 = arith.constant 0 : i32
    %dma_start3A_138 = tpu.memref_slice %arg9[%dma_start3A_126, %dma_start3A_136, %dma_start3A_137] : memref<3x4x128xi32, #tpu.memory_space<vmem>> -> memref<1x4x128xi32, #tpu.memory_space<vmem>>
    %dma_start3A_139 = tpu.memref_squeeze %dma_start3A_138 : memref<1x4x128xi32, #tpu.memory_space<vmem>> -> memref<4x128xi32, #tpu.memory_space<vmem>>
    %dma_start3A_140 = arith.constant 0 : i32
    %dma_start3A_141 = tpu.memref_slice %dma_start3A_139[%dma_start3A_127, %dma_start3A_140] : memref<4x128xi32, #tpu.memory_space<vmem>> -> memref<1x128xi32, #tpu.memory_space<vmem>>
    %dma_start3A_142 = tpu.memref_squeeze %dma_start3A_141 : memref<1x128xi32, #tpu.memory_space<vmem>> -> memref<128xi32, #tpu.memory_space<vmem>>
    %dma_start3A_143 = arith.constant 0 : i32
    %dma_start3A_144 = arith.constant 0 : i32
    %dma_start3A_145 = tpu.memref_slice %arg5[%dma_start3A_143, %dma_start3A_144] : memref<150000x64xbf16, #tpu.memory_space<hbm>> -> memref<150000x64xbf16, #tpu.memory_space<hbm>>
    tpu.enqueue_indirect_dma source(%dma_start3A_145 : memref<150000x64xbf16, #tpu.memory_space<hbm>>) target(%dma_start3A_135 : memref<128x64xbf16, #tpu.memory_space<vmem>>) offsets(%dma_start3A_142 : memref<128xi32, #tpu.memory_space<vmem>>) semaphore(%arg12 : memref<!tpu.dma_semaphore, #tpu.memory_space<semaphore_mem>>)
    %dma_start3A_146 = arith.constant 1 : i32
    %dma_start3A_147 = arith.constant 3 : i32
    %dma_start3A_148 = arith.constant 1 : i32
    %dma_start3A_149 = arith.constant 0 : i32
    %dma_start3A_150 = arith.constant 0 : i32
    %dma_start3A_151 = tpu.memref_slice %arg10[%dma_start3A_148, %dma_start3A_149, %dma_start3A_150] : memref<3x512x64xbf16, #tpu.memory_space<vmem>> -> memref<1x512x64xbf16, #tpu.memory_space<vmem>>
    %dma_start3A_152 = tpu.memref_squeeze %dma_start3A_151 : memref<1x512x64xbf16, #tpu.memory_space<vmem>> -> memref<512x64xbf16, #tpu.memory_space<vmem>>
    %dma_start3A_153 = arith.constant 384 : i32
    %dma_start3A_154 = arith.constant 0 : i32
    %dma_start3A_155 = tpu.memref_slice %dma_start3A_152[%dma_start3A_153, %dma_start3A_154] : memref<512x64xbf16, #tpu.memory_space<vmem>> -> memref<128x64xbf16, #tpu.memory_space<vmem>>
    %dma_start3A_156 = arith.constant 0 : i32
    %dma_start3A_157 = arith.constant 0 : i32
    %dma_start3A_158 = tpu.memref_slice %arg9[%dma_start3A_146, %dma_start3A_156, %dma_start3A_157] : memref<3x4x128xi32, #tpu.memory_space<vmem>> -> memref<1x4x128xi32, #tpu.memory_space<vmem>>
    %dma_start3A_159 = tpu.memref_squeeze %dma_start3A_158 : memref<1x4x128xi32, #tpu.memory_space<vmem>> -> memref<4x128xi32, #tpu.memory_space<vmem>>
    %dma_start3A_160 = arith.constant 0 : i32
    %dma_start3A_161 = tpu.memref_slice %dma_start3A_159[%dma_start3A_147, %dma_start3A_160] : memref<4x128xi32, #tpu.memory_space<vmem>> -> memref<1x128xi32, #tpu.memory_space<vmem>>
    %dma_start3A_162 = tpu.memref_squeeze %dma_start3A_161 : memref<1x128xi32, #tpu.memory_space<vmem>> -> memref<128xi32, #tpu.memory_space<vmem>>
    %dma_start3A_163 = arith.constant 0 : i32
    %dma_start3A_164 = arith.constant 0 : i32
    %dma_start3A_165 = tpu.memref_slice %arg5[%dma_start3A_163, %dma_start3A_164] : memref<150000x64xbf16, #tpu.memory_space<hbm>> -> memref<150000x64xbf16, #tpu.memory_space<hbm>>
    tpu.enqueue_indirect_dma source(%dma_start3A_165 : memref<150000x64xbf16, #tpu.memory_space<hbm>>) target(%dma_start3A_155 : memref<128x64xbf16, #tpu.memory_space<vmem>>) offsets(%dma_start3A_162 : memref<128xi32, #tpu.memory_space<vmem>>) semaphore(%arg12 : memref<!tpu.dma_semaphore, #tpu.memory_space<semaphore_mem>>)
    %dma_start3A_166 = arith.constant 2 : i32
    %dma_start3A_167 = arith.constant 0 : i32
    %dma_start3A_168 = arith.constant 2 : i32
    %dma_start3A_169 = arith.constant 0 : i32
    %dma_start3A_170 = arith.constant 0 : i32
    %dma_start3A_171 = tpu.memref_slice %arg10[%dma_start3A_168, %dma_start3A_169, %dma_start3A_170] : memref<3x512x64xbf16, #tpu.memory_space<vmem>> -> memref<1x512x64xbf16, #tpu.memory_space<vmem>>
    %dma_start3A_172 = tpu.memref_squeeze %dma_start3A_171 : memref<1x512x64xbf16, #tpu.memory_space<vmem>> -> memref<512x64xbf16, #tpu.memory_space<vmem>>
    %dma_start3A_173 = arith.constant 0 : i32
    %dma_start3A_174 = arith.constant 0 : i32
    %dma_start3A_175 = tpu.memref_slice %dma_start3A_172[%dma_start3A_173, %dma_start3A_174] : memref<512x64xbf16, #tpu.memory_space<vmem>> -> memref<128x64xbf16, #tpu.memory_space<vmem>>
    %dma_start3A_176 = arith.constant 0 : i32
    %dma_start3A_177 = arith.constant 0 : i32
    %dma_start3A_178 = tpu.memref_slice %arg9[%dma_start3A_166, %dma_start3A_176, %dma_start3A_177] : memref<3x4x128xi32, #tpu.memory_space<vmem>> -> memref<1x4x128xi32, #tpu.memory_space<vmem>>
    %dma_start3A_179 = tpu.memref_squeeze %dma_start3A_178 : memref<1x4x128xi32, #tpu.memory_space<vmem>> -> memref<4x128xi32, #tpu.memory_space<vmem>>
    %dma_start3A_180 = arith.constant 0 : i32
    %dma_start3A_181 = tpu.memref_slice %dma_start3A_179[%dma_start3A_167, %dma_start3A_180] : memref<4x128xi32, #tpu.memory_space<vmem>> -> memref<1x128xi32, #tpu.memory_space<vmem>>
    %dma_start3A_182 = tpu.memref_squeeze %dma_start3A_181 : memref<1x128xi32, #tpu.memory_space<vmem>> -> memref<128xi32, #tpu.memory_space<vmem>>
    %dma_start3A_183 = arith.constant 0 : i32
    %dma_start3A_184 = arith.constant 0 : i32
    %dma_start3A_185 = tpu.memref_slice %arg5[%dma_start3A_183, %dma_start3A_184] : memref<150000x64xbf16, #tpu.memory_space<hbm>> -> memref<150000x64xbf16, #tpu.memory_space<hbm>>
    tpu.enqueue_indirect_dma source(%dma_start3A_185 : memref<150000x64xbf16, #tpu.memory_space<hbm>>) target(%dma_start3A_175 : memref<128x64xbf16, #tpu.memory_space<vmem>>) offsets(%dma_start3A_182 : memref<128xi32, #tpu.memory_space<vmem>>) semaphore(%arg13 : memref<!tpu.dma_semaphore, #tpu.memory_space<semaphore_mem>>)
    %dma_start3A_186 = arith.constant 2 : i32
    %dma_start3A_187 = arith.constant 1 : i32
    %dma_start3A_188 = arith.constant 2 : i32
    %dma_start3A_189 = arith.constant 0 : i32
    %dma_start3A_190 = arith.constant 0 : i32
    %dma_start3A_191 = tpu.memref_slice %arg10[%dma_start3A_188, %dma_start3A_189, %dma_start3A_190] : memref<3x512x64xbf16, #tpu.memory_space<vmem>> -> memref<1x512x64xbf16, #tpu.memory_space<vmem>>
    %dma_start3A_192 = tpu.memref_squeeze %dma_start3A_191 : memref<1x512x64xbf16, #tpu.memory_space<vmem>> -> memref<512x64xbf16, #tpu.memory_space<vmem>>
    %dma_start3A_193 = arith.constant 128 : i32
    %dma_start3A_194 = arith.constant 0 : i32
    %dma_start3A_195 = tpu.memref_slice %dma_start3A_192[%dma_start3A_193, %dma_start3A_194] : memref<512x64xbf16, #tpu.memory_space<vmem>> -> memref<128x64xbf16, #tpu.memory_space<vmem>>
    %dma_start3A_196 = arith.constant 0 : i32
    %dma_start3A_197 = arith.constant 0 : i32
    %dma_start3A_198 = tpu.memref_slice %arg9[%dma_start3A_186, %dma_start3A_196, %dma_start3A_197] : memref<3x4x128xi32, #tpu.memory_space<vmem>> -> memref<1x4x128xi32, #tpu.memory_space<vmem>>
    %dma_start3A_199 = tpu.memref_squeeze %dma_start3A_198 : memref<1x4x128xi32, #tpu.memory_space<vmem>> -> memref<4x128xi32, #tpu.memory_space<vmem>>
    %dma_start3A_200 = arith.constant 0 : i32
    %dma_start3A_201 = tpu.memref_slice %dma_start3A_199[%dma_start3A_187, %dma_start3A_200] : memref<4x128xi32, #tpu.memory_space<vmem>> -> memref<1x128xi32, #tpu.memory_space<vmem>>
    %dma_start3A_202 = tpu.memref_squeeze %dma_start3A_201 : memref<1x128xi32, #tpu.memory_space<vmem>> -> memref<128xi32, #tpu.memory_space<vmem>>
    %dma_start3A_203 = arith.constant 0 : i32
    %dma_start3A_204 = arith.constant 0 : i32
    %dma_start3A_205 = tpu.memref_slice %arg5[%dma_start3A_203, %dma_start3A_204] : memref<150000x64xbf16, #tpu.memory_space<hbm>> -> memref<150000x64xbf16, #tpu.memory_space<hbm>>
    tpu.enqueue_indirect_dma source(%dma_start3A_205 : memref<150000x64xbf16, #tpu.memory_space<hbm>>) target(%dma_start3A_195 : memref<128x64xbf16, #tpu.memory_space<vmem>>) offsets(%dma_start3A_202 : memref<128xi32, #tpu.memory_space<vmem>>) semaphore(%arg13 : memref<!tpu.dma_semaphore, #tpu.memory_space<semaphore_mem>>)
    %dma_start3A_206 = arith.constant 2 : i32
    %dma_start3A_207 = arith.constant 2 : i32
    %dma_start3A_208 = arith.constant 2 : i32
    %dma_start3A_209 = arith.constant 0 : i32
    %dma_start3A_210 = arith.constant 0 : i32
    %dma_start3A_211 = tpu.memref_slice %arg10[%dma_start3A_208, %dma_start3A_209, %dma_start3A_210] : memref<3x512x64xbf16, #tpu.memory_space<vmem>> -> memref<1x512x64xbf16, #tpu.memory_space<vmem>>
    %dma_start3A_212 = tpu.memref_squeeze %dma_start3A_211 : memref<1x512x64xbf16, #tpu.memory_space<vmem>> -> memref<512x64xbf16, #tpu.memory_space<vmem>>
    %dma_start3A_213 = arith.constant 256 : i32
    %dma_start3A_214 = arith.constant 0 : i32
    %dma_start3A_215 = tpu.memref_slice %dma_start3A_212[%dma_start3A_213, %dma_start3A_214] : memref<512x64xbf16, #tpu.memory_space<vmem>> -> memref<128x64xbf16, #tpu.memory_space<vmem>>
    %dma_start3A_216 = arith.constant 0 : i32
    %dma_start3A_217 = arith.constant 0 : i32
    %dma_start3A_218 = tpu.memref_slice %arg9[%dma_start3A_206, %dma_start3A_216, %dma_start3A_217] : memref<3x4x128xi32, #tpu.memory_space<vmem>> -> memref<1x4x128xi32, #tpu.memory_space<vmem>>
    %dma_start3A_219 = tpu.memref_squeeze %dma_start3A_218 : memref<1x4x128xi32, #tpu.memory_space<vmem>> -> memref<4x128xi32, #tpu.memory_space<vmem>>
    %dma_start3A_220 = arith.constant 0 : i32
    %dma_start3A_221 = tpu.memref_slice %dma_start3A_219[%dma_start3A_207, %dma_start3A_220] : memref<4x128xi32, #tpu.memory_space<vmem>> -> memref<1x128xi32, #tpu.memory_space<vmem>>
    %dma_start3A_222 = tpu.memref_squeeze %dma_start3A_221 : memref<1x128xi32, #tpu.memory_space<vmem>> -> memref<128xi32, #tpu.memory_space<vmem>>
    %dma_start3A_223 = arith.constant 0 : i32
    %dma_start3A_224 = arith.constant 0 : i32
    %dma_start3A_225 = tpu.memref_slice %arg5[%dma_start3A_223, %dma_start3A_224] : memref<150000x64xbf16, #tpu.memory_space<hbm>> -> memref<150000x64xbf16, #tpu.memory_space<hbm>>
    tpu.enqueue_indirect_dma source(%dma_start3A_225 : memref<150000x64xbf16, #tpu.memory_space<hbm>>) target(%dma_start3A_215 : memref<128x64xbf16, #tpu.memory_space<vmem>>) offsets(%dma_start3A_222 : memref<128xi32, #tpu.memory_space<vmem>>) semaphore(%arg13 : memref<!tpu.dma_semaphore, #tpu.memory_space<semaphore_mem>>)
    %dma_start3A_226 = arith.constant 2 : i32
    %dma_start3A_227 = arith.constant 3 : i32
    %dma_start3A_228 = arith.constant 2 : i32
    %dma_start3A_229 = arith.constant 0 : i32
    %dma_start3A_230 = arith.constant 0 : i32
    %dma_start3A_231 = tpu.memref_slice %arg10[%dma_start3A_228, %dma_start3A_229, %dma_start3A_230] : memref<3x512x64xbf16, #tpu.memory_space<vmem>> -> memref<1x512x64xbf16, #tpu.memory_space<vmem>>
    %dma_start3A_232 = tpu.memref_squeeze %dma_start3A_231 : memref<1x512x64xbf16, #tpu.memory_space<vmem>> -> memref<512x64xbf16, #tpu.memory_space<vmem>>
    %dma_start3A_233 = arith.constant 384 : i32
    %dma_start3A_234 = arith.constant 0 : i32
    %dma_start3A_235 = tpu.memref_slice %dma_start3A_232[%dma_start3A_233, %dma_start3A_234] : memref<512x64xbf16, #tpu.memory_space<vmem>> -> memref<128x64xbf16, #tpu.memory_space<vmem>>
    %dma_start3A_236 = arith.constant 0 : i32
    %dma_start3A_237 = arith.constant 0 : i32
    %dma_start3A_238 = tpu.memref_slice %arg9[%dma_start3A_226, %dma_start3A_236, %dma_start3A_237] : memref<3x4x128xi32, #tpu.memory_space<vmem>> -> memref<1x4x128xi32, #tpu.memory_space<vmem>>
    %dma_start3A_239 = tpu.memref_squeeze %dma_start3A_238 : memref<1x4x128xi32, #tpu.memory_space<vmem>> -> memref<4x128xi32, #tpu.memory_space<vmem>>
    %dma_start3A_240 = arith.constant 0 : i32
    %dma_start3A_241 = tpu.memref_slice %dma_start3A_239[%dma_start3A_227, %dma_start3A_240] : memref<4x128xi32, #tpu.memory_space<vmem>> -> memref<1x128xi32, #tpu.memory_space<vmem>>
    %dma_start3A_242 = tpu.memref_squeeze %dma_start3A_241 : memref<1x128xi32, #tpu.memory_space<vmem>> -> memref<128xi32, #tpu.memory_space<vmem>>
    %dma_start3A_243 = arith.constant 0 : i32
    %dma_start3A_244 = arith.constant 0 : i32
    %dma_start3A_245 = tpu.memref_slice %arg5[%dma_start3A_243, %dma_start3A_244] : memref<150000x64xbf16, #tpu.memory_space<hbm>> -> memref<150000x64xbf16, #tpu.memory_space<hbm>>
    tpu.enqueue_indirect_dma source(%dma_start3A_245 : memref<150000x64xbf16, #tpu.memory_space<hbm>>) target(%dma_start3A_235 : memref<128x64xbf16, #tpu.memory_space<vmem>>) offsets(%dma_start3A_242 : memref<128xi32, #tpu.memory_space<vmem>>) semaphore(%arg13 : memref<!tpu.dma_semaphore, #tpu.memory_space<semaphore_mem>>)
    %dma_wait3A = arith.constant 0 : i32
    %dma_wait3A_246 = arith.constant 0 : i32
    %dma_wait3A_247 = arith.constant 0 : i32
    %dma_wait3A_248 = arith.constant 0 : i32
    %dma_wait3A_249 = arith.constant 0 : i32
    %dma_wait3A_250 = tpu.memref_slice %arg10[%dma_wait3A_247, %dma_wait3A_248, %dma_wait3A_249] : memref<3x512x64xbf16, #tpu.memory_space<vmem>> -> memref<1x512x64xbf16, #tpu.memory_space<vmem>>
    %dma_wait3A_251 = tpu.memref_squeeze %dma_wait3A_250 : memref<1x512x64xbf16, #tpu.memory_space<vmem>> -> memref<512x64xbf16, #tpu.memory_space<vmem>>
    %dma_wait3A_252 = arith.constant 0 : i32
    %dma_wait3A_253 = arith.constant 0 : i32
    %dma_wait3A_254 = tpu.memref_slice %dma_wait3A_251[%dma_wait3A_252, %dma_wait3A_253] : memref<512x64xbf16, #tpu.memory_space<vmem>> -> memref<128x64xbf16, #tpu.memory_space<vmem>>
    %dma_wait3A_255 = arith.constant 0 : i32
    %dma_wait3A_256 = arith.constant 0 : i32
    %dma_wait3A_257 = tpu.memref_slice %arg9[%dma_wait3A, %dma_wait3A_255, %dma_wait3A_256] : memref<3x4x128xi32, #tpu.memory_space<vmem>> -> memref<1x4x128xi32, #tpu.memory_space<vmem>>
    %dma_wait3A_258 = tpu.memref_squeeze %dma_wait3A_257 : memref<1x4x128xi32, #tpu.memory_space<vmem>> -> memref<4x128xi32, #tpu.memory_space<vmem>>
    %dma_wait3A_259 = arith.constant 0 : i32
    %dma_wait3A_260 = tpu.memref_slice %dma_wait3A_258[%dma_wait3A_246, %dma_wait3A_259] : memref<4x128xi32, #tpu.memory_space<vmem>> -> memref<1x128xi32, #tpu.memory_space<vmem>>
    %dma_wait3A_261 = tpu.memref_squeeze %dma_wait3A_260 : memref<1x128xi32, #tpu.memory_space<vmem>> -> memref<128xi32, #tpu.memory_space<vmem>>
    %dma_wait3A_262 = arith.constant 0 : i32
    %dma_wait3A_263 = arith.constant 0 : i32
    %dma_wait3A_264 = tpu.memref_slice %arg5[%dma_wait3A_262, %dma_wait3A_263] : memref<150000x64xbf16, #tpu.memory_space<hbm>> -> memref<150000x64xbf16, #tpu.memory_space<hbm>>
    tpu.wait_indirect_dma semaphore(%arg11 : memref<!tpu.dma_semaphore, #tpu.memory_space<semaphore_mem>>) src(%dma_wait3A_264 : memref<150000x64xbf16, #tpu.memory_space<hbm>>) dst(%dma_wait3A_254 : memref<128x64xbf16, #tpu.memory_space<vmem>>)
    %dma_wait3A_265 = arith.constant 0 : i32
    %dma_wait3A_266 = arith.constant 1 : i32
    %dma_wait3A_267 = arith.constant 0 : i32
    %dma_wait3A_268 = arith.constant 0 : i32
    %dma_wait3A_269 = arith.constant 0 : i32
    %dma_wait3A_270 = tpu.memref_slice %arg10[%dma_wait3A_267, %dma_wait3A_268, %dma_wait3A_269] : memref<3x512x64xbf16, #tpu.memory_space<vmem>> -> memref<1x512x64xbf16, #tpu.memory_space<vmem>>
    %dma_wait3A_271 = tpu.memref_squeeze %dma_wait3A_270 : memref<1x512x64xbf16, #tpu.memory_space<vmem>> -> memref<512x64xbf16, #tpu.memory_space<vmem>>
    %dma_wait3A_272 = arith.constant 128 : i32
    %dma_wait3A_273 = arith.constant 0 : i32
    %dma_wait3A_274 = tpu.memref_slice %dma_wait3A_271[%dma_wait3A_272, %dma_wait3A_273] : memref<512x64xbf16, #tpu.memory_space<vmem>> -> memref<128x64xbf16, #tpu.memory_space<vmem>>
    %dma_wait3A_275 = arith.constant 0 : i32
    %dma_wait3A_276 = arith.constant 0 : i32
    %dma_wait3A_277 = tpu.memref_slice %arg9[%dma_wait3A_265, %dma_wait3A_275, %dma_wait3A_276] : memref<3x4x128xi32, #tpu.memory_space<vmem>> -> memref<1x4x128xi32, #tpu.memory_space<vmem>>
    %dma_wait3A_278 = tpu.memref_squeeze %dma_wait3A_277 : memref<1x4x128xi32, #tpu.memory_space<vmem>> -> memref<4x128xi32, #tpu.memory_space<vmem>>
    %dma_wait3A_279 = arith.constant 0 : i32
    %dma_wait3A_280 = tpu.memref_slice %dma_wait3A_278[%dma_wait3A_266, %dma_wait3A_279] : memref<4x128xi32, #tpu.memory_space<vmem>> -> memref<1x128xi32, #tpu.memory_space<vmem>>
    %dma_wait3A_281 = tpu.memref_squeeze %dma_wait3A_280 : memref<1x128xi32, #tpu.memory_space<vmem>> -> memref<128xi32, #tpu.memory_space<vmem>>
    %dma_wait3A_282 = arith.constant 0 : i32
    %dma_wait3A_283 = arith.constant 0 : i32
    %dma_wait3A_284 = tpu.memref_slice %arg5[%dma_wait3A_282, %dma_wait3A_283] : memref<150000x64xbf16, #tpu.memory_space<hbm>> -> memref<150000x64xbf16, #tpu.memory_space<hbm>>
    tpu.wait_indirect_dma semaphore(%arg11 : memref<!tpu.dma_semaphore, #tpu.memory_space<semaphore_mem>>) src(%dma_wait3A_284 : memref<150000x64xbf16, #tpu.memory_space<hbm>>) dst(%dma_wait3A_274 : memref<128x64xbf16, #tpu.memory_space<vmem>>)
    %dma_wait3A_285 = arith.constant 0 : i32
    %dma_wait3A_286 = arith.constant 2 : i32
    %dma_wait3A_287 = arith.constant 0 : i32
    %dma_wait3A_288 = arith.constant 0 : i32
    %dma_wait3A_289 = arith.constant 0 : i32
    %dma_wait3A_290 = tpu.memref_slice %arg10[%dma_wait3A_287, %dma_wait3A_288, %dma_wait3A_289] : memref<3x512x64xbf16, #tpu.memory_space<vmem>> -> memref<1x512x64xbf16, #tpu.memory_space<vmem>>
    %dma_wait3A_291 = tpu.memref_squeeze %dma_wait3A_290 : memref<1x512x64xbf16, #tpu.memory_space<vmem>> -> memref<512x64xbf16, #tpu.memory_space<vmem>>
    %dma_wait3A_292 = arith.constant 256 : i32
    %dma_wait3A_293 = arith.constant 0 : i32
    %dma_wait3A_294 = tpu.memref_slice %dma_wait3A_291[%dma_wait3A_292, %dma_wait3A_293] : memref<512x64xbf16, #tpu.memory_space<vmem>> -> memref<128x64xbf16, #tpu.memory_space<vmem>>
    %dma_wait3A_295 = arith.constant 0 : i32
    %dma_wait3A_296 = arith.constant 0 : i32
    %dma_wait3A_297 = tpu.memref_slice %arg9[%dma_wait3A_285, %dma_wait3A_295, %dma_wait3A_296] : memref<3x4x128xi32, #tpu.memory_space<vmem>> -> memref<1x4x128xi32, #tpu.memory_space<vmem>>
    %dma_wait3A_298 = tpu.memref_squeeze %dma_wait3A_297 : memref<1x4x128xi32, #tpu.memory_space<vmem>> -> memref<4x128xi32, #tpu.memory_space<vmem>>
    %dma_wait3A_299 = arith.constant 0 : i32
    %dma_wait3A_300 = tpu.memref_slice %dma_wait3A_298[%dma_wait3A_286, %dma_wait3A_299] : memref<4x128xi32, #tpu.memory_space<vmem>> -> memref<1x128xi32, #tpu.memory_space<vmem>>
    %dma_wait3A_301 = tpu.memref_squeeze %dma_wait3A_300 : memref<1x128xi32, #tpu.memory_space<vmem>> -> memref<128xi32, #tpu.memory_space<vmem>>
    %dma_wait3A_302 = arith.constant 0 : i32
    %dma_wait3A_303 = arith.constant 0 : i32
    %dma_wait3A_304 = tpu.memref_slice %arg5[%dma_wait3A_302, %dma_wait3A_303] : memref<150000x64xbf16, #tpu.memory_space<hbm>> -> memref<150000x64xbf16, #tpu.memory_space<hbm>>
    tpu.wait_indirect_dma semaphore(%arg11 : memref<!tpu.dma_semaphore, #tpu.memory_space<semaphore_mem>>) src(%dma_wait3A_304 : memref<150000x64xbf16, #tpu.memory_space<hbm>>) dst(%dma_wait3A_294 : memref<128x64xbf16, #tpu.memory_space<vmem>>)
    %dma_wait3A_305 = arith.constant 0 : i32
    %dma_wait3A_306 = arith.constant 3 : i32
    %dma_wait3A_307 = arith.constant 0 : i32
    %dma_wait3A_308 = arith.constant 0 : i32
    %dma_wait3A_309 = arith.constant 0 : i32
    %dma_wait3A_310 = tpu.memref_slice %arg10[%dma_wait3A_307, %dma_wait3A_308, %dma_wait3A_309] : memref<3x512x64xbf16, #tpu.memory_space<vmem>> -> memref<1x512x64xbf16, #tpu.memory_space<vmem>>
    %dma_wait3A_311 = tpu.memref_squeeze %dma_wait3A_310 : memref<1x512x64xbf16, #tpu.memory_space<vmem>> -> memref<512x64xbf16, #tpu.memory_space<vmem>>
    %dma_wait3A_312 = arith.constant 384 : i32
    %dma_wait3A_313 = arith.constant 0 : i32
    %dma_wait3A_314 = tpu.memref_slice %dma_wait3A_311[%dma_wait3A_312, %dma_wait3A_313] : memref<512x64xbf16, #tpu.memory_space<vmem>> -> memref<128x64xbf16, #tpu.memory_space<vmem>>
    %dma_wait3A_315 = arith.constant 0 : i32
    %dma_wait3A_316 = arith.constant 0 : i32
    %dma_wait3A_317 = tpu.memref_slice %arg9[%dma_wait3A_305, %dma_wait3A_315, %dma_wait3A_316] : memref<3x4x128xi32, #tpu.memory_space<vmem>> -> memref<1x4x128xi32, #tpu.memory_space<vmem>>
    %dma_wait3A_318 = tpu.memref_squeeze %dma_wait3A_317 : memref<1x4x128xi32, #tpu.memory_space<vmem>> -> memref<4x128xi32, #tpu.memory_space<vmem>>
    %dma_wait3A_319 = arith.constant 0 : i32
    %dma_wait3A_320 = tpu.memref_slice %dma_wait3A_318[%dma_wait3A_306, %dma_wait3A_319] : memref<4x128xi32, #tpu.memory_space<vmem>> -> memref<1x128xi32, #tpu.memory_space<vmem>>
    %dma_wait3A_321 = tpu.memref_squeeze %dma_wait3A_320 : memref<1x128xi32, #tpu.memory_space<vmem>> -> memref<128xi32, #tpu.memory_space<vmem>>
    %dma_wait3A_322 = arith.constant 0 : i32
    %dma_wait3A_323 = arith.constant 0 : i32
    %dma_wait3A_324 = tpu.memref_slice %arg5[%dma_wait3A_322, %dma_wait3A_323] : memref<150000x64xbf16, #tpu.memory_space<hbm>> -> memref<150000x64xbf16, #tpu.memory_space<hbm>>
    tpu.wait_indirect_dma semaphore(%arg11 : memref<!tpu.dma_semaphore, #tpu.memory_space<semaphore_mem>>) src(%dma_wait3A_324 : memref<150000x64xbf16, #tpu.memory_space<hbm>>) dst(%dma_wait3A_314 : memref<128x64xbf16, #tpu.memory_space<vmem>>)
    %dma_start3A_325 = arith.constant 0 : i32
    %dma_start3A_326 = arith.constant 0 : i32
    %dma_start3A_327 = arith.constant 0 : i32
    %dma_start3A_328 = tpu.memref_slice %arg10[%dma_start3A_325, %dma_start3A_326, %dma_start3A_327] : memref<3x512x64xbf16, #tpu.memory_space<vmem>> -> memref<1x512x64xbf16, #tpu.memory_space<vmem>>
    %dma_start3A_329 = tpu.memref_squeeze %dma_start3A_328 : memref<1x512x64xbf16, #tpu.memory_space<vmem>> -> memref<512x64xbf16, #tpu.memory_space<vmem>>
    %dma_start3A_330 = arith.constant 0 : i32
    %dma_start3A_331 = tpu.memref_slice %arg6[%mul3A_2, %dma_start3A_330] : memref<16384x64xbf16, #tpu.memory_space<hbm>> -> memref<512x64xbf16, #tpu.memory_space<hbm>>
    %dma_start3A_332 = arith.constant 0 : i32
    %dma_start3A_333 = tpu.memref_slice %arg6[%mul3A_2, %dma_start3A_332] : memref<16384x64xbf16, #tpu.memory_space<hbm>> -> memref<512x64xbf16, #tpu.memory_space<hbm>>
    %dma_start3A_334 = arith.constant 0 : i32
    %dma_start3A_335 = arith.constant 0 : i32
    %dma_start3A_336 = tpu.memref_slice %arg10[%dma_start3A_325, %dma_start3A_334, %dma_start3A_335] : memref<3x512x64xbf16, #tpu.memory_space<vmem>> -> memref<1x512x64xbf16, #tpu.memory_space<vmem>>
    %dma_start3A_337 = tpu.memref_squeeze %dma_start3A_336 : memref<1x512x64xbf16, #tpu.memory_space<vmem>> -> memref<512x64xbf16, #tpu.memory_space<vmem>>
    tpu.enqueue_dma source(%dma_start3A_337 : memref<512x64xbf16, #tpu.memory_space<vmem>>) target(%dma_start3A_333 : memref<512x64xbf16, #tpu.memory_space<hbm>>) target_semaphore(%arg14 : memref<!tpu.dma_semaphore, #tpu.memory_space<semaphore_mem>>)
    %dma_wait3A_338 = arith.constant 1 : i32
    %dma_wait3A_339 = arith.constant 0 : i32
    %dma_wait3A_340 = arith.constant 1 : i32
    %dma_wait3A_341 = arith.constant 0 : i32
    %dma_wait3A_342 = arith.constant 0 : i32
    %dma_wait3A_343 = tpu.memref_slice %arg10[%dma_wait3A_340, %dma_wait3A_341, %dma_wait3A_342] : memref<3x512x64xbf16, #tpu.memory_space<vmem>> -> memref<1x512x64xbf16, #tpu.memory_space<vmem>>
    %dma_wait3A_344 = tpu.memref_squeeze %dma_wait3A_343 : memref<1x512x64xbf16, #tpu.memory_space<vmem>> -> memref<512x64xbf16, #tpu.memory_space<vmem>>
    %dma_wait3A_345 = arith.constant 0 : i32
    %dma_wait3A_346 = arith.constant 0 : i32
    %dma_wait3A_347 = tpu.memref_slice %dma_wait3A_344[%dma_wait3A_345, %dma_wait3A_346] : memref<512x64xbf16, #tpu.memory_space<vmem>> -> memref<128x64xbf16, #tpu.memory_space<vmem>>
    %dma_wait3A_348 = arith.constant 0 : i32
    %dma_wait3A_349 = arith.constant 0 : i32
    %dma_wait3A_350 = tpu.memref_slice %arg9[%dma_wait3A_338, %dma_wait3A_348, %dma_wait3A_349] : memref<3x4x128xi32, #tpu.memory_space<vmem>> -> memref<1x4x128xi32, #tpu.memory_space<vmem>>
    %dma_wait3A_351 = tpu.memref_squeeze %dma_wait3A_350 : memref<1x4x128xi32, #tpu.memory_space<vmem>> -> memref<4x128xi32, #tpu.memory_space<vmem>>
    %dma_wait3A_352 = arith.constant 0 : i32
    %dma_wait3A_353 = tpu.memref_slice %dma_wait3A_351[%dma_wait3A_339, %dma_wait3A_352] : memref<4x128xi32, #tpu.memory_space<vmem>> -> memref<1x128xi32, #tpu.memory_space<vmem>>
    %dma_wait3A_354 = tpu.memref_squeeze %dma_wait3A_353 : memref<1x128xi32, #tpu.memory_space<vmem>> -> memref<128xi32, #tpu.memory_space<vmem>>
    %dma_wait3A_355 = arith.constant 0 : i32
    %dma_wait3A_356 = arith.constant 0 : i32
    %dma_wait3A_357 = tpu.memref_slice %arg5[%dma_wait3A_355, %dma_wait3A_356] : memref<150000x64xbf16, #tpu.memory_space<hbm>> -> memref<150000x64xbf16, #tpu.memory_space<hbm>>
    tpu.wait_indirect_dma semaphore(%arg12 : memref<!tpu.dma_semaphore, #tpu.memory_space<semaphore_mem>>) src(%dma_wait3A_357 : memref<150000x64xbf16, #tpu.memory_space<hbm>>) dst(%dma_wait3A_347 : memref<128x64xbf16, #tpu.memory_space<vmem>>)
    %dma_wait3A_358 = arith.constant 1 : i32
    %dma_wait3A_359 = arith.constant 1 : i32
    %dma_wait3A_360 = arith.constant 1 : i32
    %dma_wait3A_361 = arith.constant 0 : i32
    %dma_wait3A_362 = arith.constant 0 : i32
    %dma_wait3A_363 = tpu.memref_slice %arg10[%dma_wait3A_360, %dma_wait3A_361, %dma_wait3A_362] : memref<3x512x64xbf16, #tpu.memory_space<vmem>> -> memref<1x512x64xbf16, #tpu.memory_space<vmem>>
    %dma_wait3A_364 = tpu.memref_squeeze %dma_wait3A_363 : memref<1x512x64xbf16, #tpu.memory_space<vmem>> -> memref<512x64xbf16, #tpu.memory_space<vmem>>
    %dma_wait3A_365 = arith.constant 128 : i32
    %dma_wait3A_366 = arith.constant 0 : i32
    %dma_wait3A_367 = tpu.memref_slice %dma_wait3A_364[%dma_wait3A_365, %dma_wait3A_366] : memref<512x64xbf16, #tpu.memory_space<vmem>> -> memref<128x64xbf16, #tpu.memory_space<vmem>>
    %dma_wait3A_368 = arith.constant 0 : i32
    %dma_wait3A_369 = arith.constant 0 : i32
    %dma_wait3A_370 = tpu.memref_slice %arg9[%dma_wait3A_358, %dma_wait3A_368, %dma_wait3A_369] : memref<3x4x128xi32, #tpu.memory_space<vmem>> -> memref<1x4x128xi32, #tpu.memory_space<vmem>>
    %dma_wait3A_371 = tpu.memref_squeeze %dma_wait3A_370 : memref<1x4x128xi32, #tpu.memory_space<vmem>> -> memref<4x128xi32, #tpu.memory_space<vmem>>
    %dma_wait3A_372 = arith.constant 0 : i32
    %dma_wait3A_373 = tpu.memref_slice %dma_wait3A_371[%dma_wait3A_359, %dma_wait3A_372] : memref<4x128xi32, #tpu.memory_space<vmem>> -> memref<1x128xi32, #tpu.memory_space<vmem>>
    %dma_wait3A_374 = tpu.memref_squeeze %dma_wait3A_373 : memref<1x128xi32, #tpu.memory_space<vmem>> -> memref<128xi32, #tpu.memory_space<vmem>>
    %dma_wait3A_375 = arith.constant 0 : i32
    %dma_wait3A_376 = arith.constant 0 : i32
    %dma_wait3A_377 = tpu.memref_slice %arg5[%dma_wait3A_375, %dma_wait3A_376] : memref<150000x64xbf16, #tpu.memory_space<hbm>> -> memref<150000x64xbf16, #tpu.memory_space<hbm>>
    tpu.wait_indirect_dma semaphore(%arg12 : memref<!tpu.dma_semaphore, #tpu.memory_space<semaphore_mem>>) src(%dma_wait3A_377 : memref<150000x64xbf16, #tpu.memory_space<hbm>>) dst(%dma_wait3A_367 : memref<128x64xbf16, #tpu.memory_space<vmem>>)
    %dma_wait3A_378 = arith.constant 1 : i32
    %dma_wait3A_379 = arith.constant 2 : i32
    %dma_wait3A_380 = arith.constant 1 : i32
    %dma_wait3A_381 = arith.constant 0 : i32
    %dma_wait3A_382 = arith.constant 0 : i32
    %dma_wait3A_383 = tpu.memref_slice %arg10[%dma_wait3A_380, %dma_wait3A_381, %dma_wait3A_382] : memref<3x512x64xbf16, #tpu.memory_space<vmem>> -> memref<1x512x64xbf16, #tpu.memory_space<vmem>>
    %dma_wait3A_384 = tpu.memref_squeeze %dma_wait3A_383 : memref<1x512x64xbf16, #tpu.memory_space<vmem>> -> memref<512x64xbf16, #tpu.memory_space<vmem>>
    %dma_wait3A_385 = arith.constant 256 : i32
    %dma_wait3A_386 = arith.constant 0 : i32
    %dma_wait3A_387 = tpu.memref_slice %dma_wait3A_384[%dma_wait3A_385, %dma_wait3A_386] : memref<512x64xbf16, #tpu.memory_space<vmem>> -> memref<128x64xbf16, #tpu.memory_space<vmem>>
    %dma_wait3A_388 = arith.constant 0 : i32
    %dma_wait3A_389 = arith.constant 0 : i32
    %dma_wait3A_390 = tpu.memref_slice %arg9[%dma_wait3A_378, %dma_wait3A_388, %dma_wait3A_389] : memref<3x4x128xi32, #tpu.memory_space<vmem>> -> memref<1x4x128xi32, #tpu.memory_space<vmem>>
    %dma_wait3A_391 = tpu.memref_squeeze %dma_wait3A_390 : memref<1x4x128xi32, #tpu.memory_space<vmem>> -> memref<4x128xi32, #tpu.memory_space<vmem>>
    %dma_wait3A_392 = arith.constant 0 : i32
    %dma_wait3A_393 = tpu.memref_slice %dma_wait3A_391[%dma_wait3A_379, %dma_wait3A_392] : memref<4x128xi32, #tpu.memory_space<vmem>> -> memref<1x128xi32, #tpu.memory_space<vmem>>
    %dma_wait3A_394 = tpu.memref_squeeze %dma_wait3A_393 : memref<1x128xi32, #tpu.memory_space<vmem>> -> memref<128xi32, #tpu.memory_space<vmem>>
    %dma_wait3A_395 = arith.constant 0 : i32
    %dma_wait3A_396 = arith.constant 0 : i32
    %dma_wait3A_397 = tpu.memref_slice %arg5[%dma_wait3A_395, %dma_wait3A_396] : memref<150000x64xbf16, #tpu.memory_space<hbm>> -> memref<150000x64xbf16, #tpu.memory_space<hbm>>
    tpu.wait_indirect_dma semaphore(%arg12 : memref<!tpu.dma_semaphore, #tpu.memory_space<semaphore_mem>>) src(%dma_wait3A_397 : memref<150000x64xbf16, #tpu.memory_space<hbm>>) dst(%dma_wait3A_387 : memref<128x64xbf16, #tpu.memory_space<vmem>>)
    %dma_wait3A_398 = arith.constant 1 : i32
    %dma_wait3A_399 = arith.constant 3 : i32
    %dma_wait3A_400 = arith.constant 1 : i32
    %dma_wait3A_401 = arith.constant 0 : i32
    %dma_wait3A_402 = arith.constant 0 : i32
    %dma_wait3A_403 = tpu.memref_slice %arg10[%dma_wait3A_400, %dma_wait3A_401, %dma_wait3A_402] : memref<3x512x64xbf16, #tpu.memory_space<vmem>> -> memref<1x512x64xbf16, #tpu.memory_space<vmem>>
    %dma_wait3A_404 = tpu.memref_squeeze %dma_wait3A_403 : memref<1x512x64xbf16, #tpu.memory_space<vmem>> -> memref<512x64xbf16, #tpu.memory_space<vmem>>
    %dma_wait3A_405 = arith.constant 384 : i32
    %dma_wait3A_406 = arith.constant 0 : i32
    %dma_wait3A_407 = tpu.memref_slice %dma_wait3A_404[%dma_wait3A_405, %dma_wait3A_406] : memref<512x64xbf16, #tpu.memory_space<vmem>> -> memref<128x64xbf16, #tpu.memory_space<vmem>>
    %dma_wait3A_408 = arith.constant 0 : i32
    %dma_wait3A_409 = arith.constant 0 : i32
    %dma_wait3A_410 = tpu.memref_slice %arg9[%dma_wait3A_398, %dma_wait3A_408, %dma_wait3A_409] : memref<3x4x128xi32, #tpu.memory_space<vmem>> -> memref<1x4x128xi32, #tpu.memory_space<vmem>>
    %dma_wait3A_411 = tpu.memref_squeeze %dma_wait3A_410 : memref<1x4x128xi32, #tpu.memory_space<vmem>> -> memref<4x128xi32, #tpu.memory_space<vmem>>
    %dma_wait3A_412 = arith.constant 0 : i32
    %dma_wait3A_413 = tpu.memref_slice %dma_wait3A_411[%dma_wait3A_399, %dma_wait3A_412] : memref<4x128xi32, #tpu.memory_space<vmem>> -> memref<1x128xi32, #tpu.memory_space<vmem>>
    %dma_wait3A_414 = tpu.memref_squeeze %dma_wait3A_413 : memref<1x128xi32, #tpu.memory_space<vmem>> -> memref<128xi32, #tpu.memory_space<vmem>>
    %dma_wait3A_415 = arith.constant 0 : i32
    %dma_wait3A_416 = arith.constant 0 : i32
    %dma_wait3A_417 = tpu.memref_slice %arg5[%dma_wait3A_415, %dma_wait3A_416] : memref<150000x64xbf16, #tpu.memory_space<hbm>> -> memref<150000x64xbf16, #tpu.memory_space<hbm>>
    tpu.wait_indirect_dma semaphore(%arg12 : memref<!tpu.dma_semaphore, #tpu.memory_space<semaphore_mem>>) src(%dma_wait3A_417 : memref<150000x64xbf16, #tpu.memory_space<hbm>>) dst(%dma_wait3A_407 : memref<128x64xbf16, #tpu.memory_space<vmem>>)
    %dma_start3A_418 = arith.constant 1 : i32
    %dma_start3A_419 = arith.constant 0 : i32
    %dma_start3A_420 = arith.constant 0 : i32
    %dma_start3A_421 = tpu.memref_slice %arg10[%dma_start3A_418, %dma_start3A_419, %dma_start3A_420] : memref<3x512x64xbf16, #tpu.memory_space<vmem>> -> memref<1x512x64xbf16, #tpu.memory_space<vmem>>
    %dma_start3A_422 = tpu.memref_squeeze %dma_start3A_421 : memref<1x512x64xbf16, #tpu.memory_space<vmem>> -> memref<512x64xbf16, #tpu.memory_space<vmem>>
    %dma_start3A_423 = arith.constant 0 : i32
    %dma_start3A_424 = tpu.memref_slice %arg7[%mul3A_2, %dma_start3A_423] : memref<16384x64xbf16, #tpu.memory_space<hbm>> -> memref<512x64xbf16, #tpu.memory_space<hbm>>
    %dma_start3A_425 = arith.constant 0 : i32
    %dma_start3A_426 = tpu.memref_slice %arg7[%mul3A_2, %dma_start3A_425] : memref<16384x64xbf16, #tpu.memory_space<hbm>> -> memref<512x64xbf16, #tpu.memory_space<hbm>>
    %dma_start3A_427 = arith.constant 0 : i32
    %dma_start3A_428 = arith.constant 0 : i32
    %dma_start3A_429 = tpu.memref_slice %arg10[%dma_start3A_418, %dma_start3A_427, %dma_start3A_428] : memref<3x512x64xbf16, #tpu.memory_space<vmem>> -> memref<1x512x64xbf16, #tpu.memory_space<vmem>>
    %dma_start3A_430 = tpu.memref_squeeze %dma_start3A_429 : memref<1x512x64xbf16, #tpu.memory_space<vmem>> -> memref<512x64xbf16, #tpu.memory_space<vmem>>
    tpu.enqueue_dma source(%dma_start3A_430 : memref<512x64xbf16, #tpu.memory_space<vmem>>) target(%dma_start3A_426 : memref<512x64xbf16, #tpu.memory_space<hbm>>) target_semaphore(%arg15 : memref<!tpu.dma_semaphore, #tpu.memory_space<semaphore_mem>>)
    %dma_wait3A_431 = arith.constant 2 : i32
    %dma_wait3A_432 = arith.constant 0 : i32
    %dma_wait3A_433 = arith.constant 2 : i32
    %dma_wait3A_434 = arith.constant 0 : i32
    %dma_wait3A_435 = arith.constant 0 : i32
    %dma_wait3A_436 = tpu.memref_slice %arg10[%dma_wait3A_433, %dma_wait3A_434, %dma_wait3A_435] : memref<3x512x64xbf16, #tpu.memory_space<vmem>> -> memref<1x512x64xbf16, #tpu.memory_space<vmem>>
    %dma_wait3A_437 = tpu.memref_squeeze %dma_wait3A_436 : memref<1x512x64xbf16, #tpu.memory_space<vmem>> -> memref<512x64xbf16, #tpu.memory_space<vmem>>
    %dma_wait3A_438 = arith.constant 0 : i32
    %dma_wait3A_439 = arith.constant 0 : i32
    %dma_wait3A_440 = tpu.memref_slice %dma_wait3A_437[%dma_wait3A_438, %dma_wait3A_439] : memref<512x64xbf16, #tpu.memory_space<vmem>> -> memref<128x64xbf16, #tpu.memory_space<vmem>>
    %dma_wait3A_441 = arith.constant 0 : i32
    %dma_wait3A_442 = arith.constant 0 : i32
    %dma_wait3A_443 = tpu.memref_slice %arg9[%dma_wait3A_431, %dma_wait3A_441, %dma_wait3A_442] : memref<3x4x128xi32, #tpu.memory_space<vmem>> -> memref<1x4x128xi32, #tpu.memory_space<vmem>>
    %dma_wait3A_444 = tpu.memref_squeeze %dma_wait3A_443 : memref<1x4x128xi32, #tpu.memory_space<vmem>> -> memref<4x128xi32, #tpu.memory_space<vmem>>
    %dma_wait3A_445 = arith.constant 0 : i32
    %dma_wait3A_446 = tpu.memref_slice %dma_wait3A_444[%dma_wait3A_432, %dma_wait3A_445] : memref<4x128xi32, #tpu.memory_space<vmem>> -> memref<1x128xi32, #tpu.memory_space<vmem>>
    %dma_wait3A_447 = tpu.memref_squeeze %dma_wait3A_446 : memref<1x128xi32, #tpu.memory_space<vmem>> -> memref<128xi32, #tpu.memory_space<vmem>>
    %dma_wait3A_448 = arith.constant 0 : i32
    %dma_wait3A_449 = arith.constant 0 : i32
    %dma_wait3A_450 = tpu.memref_slice %arg5[%dma_wait3A_448, %dma_wait3A_449] : memref<150000x64xbf16, #tpu.memory_space<hbm>> -> memref<150000x64xbf16, #tpu.memory_space<hbm>>
    tpu.wait_indirect_dma semaphore(%arg13 : memref<!tpu.dma_semaphore, #tpu.memory_space<semaphore_mem>>) src(%dma_wait3A_450 : memref<150000x64xbf16, #tpu.memory_space<hbm>>) dst(%dma_wait3A_440 : memref<128x64xbf16, #tpu.memory_space<vmem>>)
    %dma_wait3A_451 = arith.constant 2 : i32
    %dma_wait3A_452 = arith.constant 1 : i32
    %dma_wait3A_453 = arith.constant 2 : i32
    %dma_wait3A_454 = arith.constant 0 : i32
    %dma_wait3A_455 = arith.constant 0 : i32
    %dma_wait3A_456 = tpu.memref_slice %arg10[%dma_wait3A_453, %dma_wait3A_454, %dma_wait3A_455] : memref<3x512x64xbf16, #tpu.memory_space<vmem>> -> memref<1x512x64xbf16, #tpu.memory_space<vmem>>
    %dma_wait3A_457 = tpu.memref_squeeze %dma_wait3A_456 : memref<1x512x64xbf16, #tpu.memory_space<vmem>> -> memref<512x64xbf16, #tpu.memory_space<vmem>>
    %dma_wait3A_458 = arith.constant 128 : i32
    %dma_wait3A_459 = arith.constant 0 : i32
    %dma_wait3A_460 = tpu.memref_slice %dma_wait3A_457[%dma_wait3A_458, %dma_wait3A_459] : memref<512x64xbf16, #tpu.memory_space<vmem>> -> memref<128x64xbf16, #tpu.memory_space<vmem>>
    %dma_wait3A_461 = arith.constant 0 : i32
    %dma_wait3A_462 = arith.constant 0 : i32
    %dma_wait3A_463 = tpu.memref_slice %arg9[%dma_wait3A_451, %dma_wait3A_461, %dma_wait3A_462] : memref<3x4x128xi32, #tpu.memory_space<vmem>> -> memref<1x4x128xi32, #tpu.memory_space<vmem>>
    %dma_wait3A_464 = tpu.memref_squeeze %dma_wait3A_463 : memref<1x4x128xi32, #tpu.memory_space<vmem>> -> memref<4x128xi32, #tpu.memory_space<vmem>>
    %dma_wait3A_465 = arith.constant 0 : i32
    %dma_wait3A_466 = tpu.memref_slice %dma_wait3A_464[%dma_wait3A_452, %dma_wait3A_465] : memref<4x128xi32, #tpu.memory_space<vmem>> -> memref<1x128xi32, #tpu.memory_space<vmem>>
    %dma_wait3A_467 = tpu.memref_squeeze %dma_wait3A_466 : memref<1x128xi32, #tpu.memory_space<vmem>> -> memref<128xi32, #tpu.memory_space<vmem>>
    %dma_wait3A_468 = arith.constant 0 : i32
    %dma_wait3A_469 = arith.constant 0 : i32
    %dma_wait3A_470 = tpu.memref_slice %arg5[%dma_wait3A_468, %dma_wait3A_469] : memref<150000x64xbf16, #tpu.memory_space<hbm>> -> memref<150000x64xbf16, #tpu.memory_space<hbm>>
    tpu.wait_indirect_dma semaphore(%arg13 : memref<!tpu.dma_semaphore, #tpu.memory_space<semaphore_mem>>) src(%dma_wait3A_470 : memref<150000x64xbf16, #tpu.memory_space<hbm>>) dst(%dma_wait3A_460 : memref<128x64xbf16, #tpu.memory_space<vmem>>)
    %dma_wait3A_471 = arith.constant 2 : i32
    %dma_wait3A_472 = arith.constant 2 : i32
    %dma_wait3A_473 = arith.constant 2 : i32
    %dma_wait3A_474 = arith.constant 0 : i32
    %dma_wait3A_475 = arith.constant 0 : i32
    %dma_wait3A_476 = tpu.memref_slice %arg10[%dma_wait3A_473, %dma_wait3A_474, %dma_wait3A_475] : memref<3x512x64xbf16, #tpu.memory_space<vmem>> -> memref<1x512x64xbf16, #tpu.memory_space<vmem>>
    %dma_wait3A_477 = tpu.memref_squeeze %dma_wait3A_476 : memref<1x512x64xbf16, #tpu.memory_space<vmem>> -> memref<512x64xbf16, #tpu.memory_space<vmem>>
    %dma_wait3A_478 = arith.constant 256 : i32
    %dma_wait3A_479 = arith.constant 0 : i32
    %dma_wait3A_480 = tpu.memref_slice %dma_wait3A_477[%dma_wait3A_478, %dma_wait3A_479] : memref<512x64xbf16, #tpu.memory_space<vmem>> -> memref<128x64xbf16, #tpu.memory_space<vmem>>
    %dma_wait3A_481 = arith.constant 0 : i32
    %dma_wait3A_482 = arith.constant 0 : i32
    %dma_wait3A_483 = tpu.memref_slice %arg9[%dma_wait3A_471, %dma_wait3A_481, %dma_wait3A_482] : memref<3x4x128xi32, #tpu.memory_space<vmem>> -> memref<1x4x128xi32, #tpu.memory_space<vmem>>
    %dma_wait3A_484 = tpu.memref_squeeze %dma_wait3A_483 : memref<1x4x128xi32, #tpu.memory_space<vmem>> -> memref<4x128xi32, #tpu.memory_space<vmem>>
    %dma_wait3A_485 = arith.constant 0 : i32
    %dma_wait3A_486 = tpu.memref_slice %dma_wait3A_484[%dma_wait3A_472, %dma_wait3A_485] : memref<4x128xi32, #tpu.memory_space<vmem>> -> memref<1x128xi32, #tpu.memory_space<vmem>>
    %dma_wait3A_487 = tpu.memref_squeeze %dma_wait3A_486 : memref<1x128xi32, #tpu.memory_space<vmem>> -> memref<128xi32, #tpu.memory_space<vmem>>
    %dma_wait3A_488 = arith.constant 0 : i32
    %dma_wait3A_489 = arith.constant 0 : i32
    %dma_wait3A_490 = tpu.memref_slice %arg5[%dma_wait3A_488, %dma_wait3A_489] : memref<150000x64xbf16, #tpu.memory_space<hbm>> -> memref<150000x64xbf16, #tpu.memory_space<hbm>>
    tpu.wait_indirect_dma semaphore(%arg13 : memref<!tpu.dma_semaphore, #tpu.memory_space<semaphore_mem>>) src(%dma_wait3A_490 : memref<150000x64xbf16, #tpu.memory_space<hbm>>) dst(%dma_wait3A_480 : memref<128x64xbf16, #tpu.memory_space<vmem>>)
    %dma_wait3A_491 = arith.constant 2 : i32
    %dma_wait3A_492 = arith.constant 3 : i32
    %dma_wait3A_493 = arith.constant 2 : i32
    %dma_wait3A_494 = arith.constant 0 : i32
    %dma_wait3A_495 = arith.constant 0 : i32
    %dma_wait3A_496 = tpu.memref_slice %arg10[%dma_wait3A_493, %dma_wait3A_494, %dma_wait3A_495] : memref<3x512x64xbf16, #tpu.memory_space<vmem>> -> memref<1x512x64xbf16, #tpu.memory_space<vmem>>
    %dma_wait3A_497 = tpu.memref_squeeze %dma_wait3A_496 : memref<1x512x64xbf16, #tpu.memory_space<vmem>> -> memref<512x64xbf16, #tpu.memory_space<vmem>>
    %dma_wait3A_498 = arith.constant 384 : i32
    %dma_wait3A_499 = arith.constant 0 : i32
    %dma_wait3A_500 = tpu.memref_slice %dma_wait3A_497[%dma_wait3A_498, %dma_wait3A_499] : memref<512x64xbf16, #tpu.memory_space<vmem>> -> memref<128x64xbf16, #tpu.memory_space<vmem>>
    %dma_wait3A_501 = arith.constant 0 : i32
    %dma_wait3A_502 = arith.constant 0 : i32
    %dma_wait3A_503 = tpu.memref_slice %arg9[%dma_wait3A_491, %dma_wait3A_501, %dma_wait3A_502] : memref<3x4x128xi32, #tpu.memory_space<vmem>> -> memref<1x4x128xi32, #tpu.memory_space<vmem>>
    %dma_wait3A_504 = tpu.memref_squeeze %dma_wait3A_503 : memref<1x4x128xi32, #tpu.memory_space<vmem>> -> memref<4x128xi32, #tpu.memory_space<vmem>>
    %dma_wait3A_505 = arith.constant 0 : i32
    %dma_wait3A_506 = tpu.memref_slice %dma_wait3A_504[%dma_wait3A_492, %dma_wait3A_505] : memref<4x128xi32, #tpu.memory_space<vmem>> -> memref<1x128xi32, #tpu.memory_space<vmem>>
    %dma_wait3A_507 = tpu.memref_squeeze %dma_wait3A_506 : memref<1x128xi32, #tpu.memory_space<vmem>> -> memref<128xi32, #tpu.memory_space<vmem>>
    %dma_wait3A_508 = arith.constant 0 : i32
    %dma_wait3A_509 = arith.constant 0 : i32
    %dma_wait3A_510 = tpu.memref_slice %arg5[%dma_wait3A_508, %dma_wait3A_509] : memref<150000x64xbf16, #tpu.memory_space<hbm>> -> memref<150000x64xbf16, #tpu.memory_space<hbm>>
    tpu.wait_indirect_dma semaphore(%arg13 : memref<!tpu.dma_semaphore, #tpu.memory_space<semaphore_mem>>) src(%dma_wait3A_510 : memref<150000x64xbf16, #tpu.memory_space<hbm>>) dst(%dma_wait3A_500 : memref<128x64xbf16, #tpu.memory_space<vmem>>)
    %dma_start3A_511 = arith.constant 2 : i32
    %dma_start3A_512 = arith.constant 0 : i32
    %dma_start3A_513 = arith.constant 0 : i32
    %dma_start3A_514 = tpu.memref_slice %arg10[%dma_start3A_511, %dma_start3A_512, %dma_start3A_513] : memref<3x512x64xbf16, #tpu.memory_space<vmem>> -> memref<1x512x64xbf16, #tpu.memory_space<vmem>>
    %dma_start3A_515 = tpu.memref_squeeze %dma_start3A_514 : memref<1x512x64xbf16, #tpu.memory_space<vmem>> -> memref<512x64xbf16, #tpu.memory_space<vmem>>
    %dma_start3A_516 = arith.constant 0 : i32
    %dma_start3A_517 = tpu.memref_slice %arg8[%mul3A_2, %dma_start3A_516] : memref<16384x64xbf16, #tpu.memory_space<hbm>> -> memref<512x64xbf16, #tpu.memory_space<hbm>>
    %dma_start3A_518 = arith.constant 0 : i32
    %dma_start3A_519 = tpu.memref_slice %arg8[%mul3A_2, %dma_start3A_518] : memref<16384x64xbf16, #tpu.memory_space<hbm>> -> memref<512x64xbf16, #tpu.memory_space<hbm>>
    %dma_start3A_520 = arith.constant 0 : i32
    %dma_start3A_521 = arith.constant 0 : i32
    %dma_start3A_522 = tpu.memref_slice %arg10[%dma_start3A_511, %dma_start3A_520, %dma_start3A_521] : memref<3x512x64xbf16, #tpu.memory_space<vmem>> -> memref<1x512x64xbf16, #tpu.memory_space<vmem>>
    %dma_start3A_523 = tpu.memref_squeeze %dma_start3A_522 : memref<1x512x64xbf16, #tpu.memory_space<vmem>> -> memref<512x64xbf16, #tpu.memory_space<vmem>>
    tpu.enqueue_dma source(%dma_start3A_523 : memref<512x64xbf16, #tpu.memory_space<vmem>>) target(%dma_start3A_519 : memref<512x64xbf16, #tpu.memory_space<hbm>>) target_semaphore(%arg16 : memref<!tpu.dma_semaphore, #tpu.memory_space<semaphore_mem>>)
    %dma_wait3A_524 = arith.constant 0 : i32
    %dma_wait3A_525 = arith.constant 0 : i32
    %dma_wait3A_526 = arith.constant 0 : i32
    %dma_wait3A_527 = tpu.memref_slice %arg10[%dma_wait3A_524, %dma_wait3A_525, %dma_wait3A_526] : memref<3x512x64xbf16, #tpu.memory_space<vmem>> -> memref<1x512x64xbf16, #tpu.memory_space<vmem>>
    %dma_wait3A_528 = tpu.memref_squeeze %dma_wait3A_527 : memref<1x512x64xbf16, #tpu.memory_space<vmem>> -> memref<512x64xbf16, #tpu.memory_space<vmem>>
    %dma_wait3A_529 = arith.constant 0 : i32
    %dma_wait3A_530 = tpu.memref_slice %arg6[%mul3A_2, %dma_wait3A_529] : memref<16384x64xbf16, #tpu.memory_space<hbm>> -> memref<512x64xbf16, #tpu.memory_space<hbm>>
    %dma_wait3A_531 = arith.constant 0 : i32
    %dma_wait3A_532 = tpu.memref_slice %arg6[%mul3A_2, %dma_wait3A_531] : memref<16384x64xbf16, #tpu.memory_space<hbm>> -> memref<512x64xbf16, #tpu.memory_space<hbm>>
    %dma_wait3A_533 = arith.constant 0 : i32
    %dma_wait3A_534 = arith.constant 0 : i32
    %dma_wait3A_535 = tpu.memref_slice %arg10[%dma_wait3A_524, %dma_wait3A_533, %dma_wait3A_534] : memref<3x512x64xbf16, #tpu.memory_space<vmem>> -> memref<1x512x64xbf16, #tpu.memory_space<vmem>>
    %dma_wait3A_536 = tpu.memref_squeeze %dma_wait3A_535 : memref<1x512x64xbf16, #tpu.memory_space<vmem>> -> memref<512x64xbf16, #tpu.memory_space<vmem>>
    tpu.wait_dma2 semaphore(%arg14 : memref<!tpu.dma_semaphore, #tpu.memory_space<semaphore_mem>>) src(%dma_wait3A_536 : memref<512x64xbf16, #tpu.memory_space<vmem>>) dst(%dma_wait3A_532 : memref<512x64xbf16, #tpu.memory_space<hbm>>)
    %dma_wait3A_537 = arith.constant 1 : i32
    %dma_wait3A_538 = arith.constant 0 : i32
    %dma_wait3A_539 = arith.constant 0 : i32
    %dma_wait3A_540 = tpu.memref_slice %arg10[%dma_wait3A_537, %dma_wait3A_538, %dma_wait3A_539] : memref<3x512x64xbf16, #tpu.memory_space<vmem>> -> memref<1x512x64xbf16, #tpu.memory_space<vmem>>
    %dma_wait3A_541 = tpu.memref_squeeze %dma_wait3A_540 : memref<1x512x64xbf16, #tpu.memory_space<vmem>> -> memref<512x64xbf16, #tpu.memory_space<vmem>>
    %dma_wait3A_542 = arith.constant 0 : i32
    %dma_wait3A_543 = tpu.memref_slice %arg7[%mul3A_2, %dma_wait3A_542] : memref<16384x64xbf16, #tpu.memory_space<hbm>> -> memref<512x64xbf16, #tpu.memory_space<hbm>>
    %dma_wait3A_544 = arith.constant 0 : i32
    %dma_wait3A_545 = tpu.memref_slice %arg7[%mul3A_2, %dma_wait3A_544] : memref<16384x64xbf16, #tpu.memory_space<hbm>> -> memref<512x64xbf16, #tpu.memory_space<hbm>>
    %dma_wait3A_546 = arith.constant 0 : i32
    %dma_wait3A_547 = arith.constant 0 : i32
    %dma_wait3A_548 = tpu.memref_slice %arg10[%dma_wait3A_537, %dma_wait3A_546, %dma_wait3A_547] : memref<3x512x64xbf16, #tpu.memory_space<vmem>> -> memref<1x512x64xbf16, #tpu.memory_space<vmem>>
    %dma_wait3A_549 = tpu.memref_squeeze %dma_wait3A_548 : memref<1x512x64xbf16, #tpu.memory_space<vmem>> -> memref<512x64xbf16, #tpu.memory_space<vmem>>
    tpu.wait_dma2 semaphore(%arg15 : memref<!tpu.dma_semaphore, #tpu.memory_space<semaphore_mem>>) src(%dma_wait3A_549 : memref<512x64xbf16, #tpu.memory_space<vmem>>) dst(%dma_wait3A_545 : memref<512x64xbf16, #tpu.memory_space<hbm>>)
    %dma_wait3A_550 = arith.constant 2 : i32
    %dma_wait3A_551 = arith.constant 0 : i32
    %dma_wait3A_552 = arith.constant 0 : i32
    %dma_wait3A_553 = tpu.memref_slice %arg10[%dma_wait3A_550, %dma_wait3A_551, %dma_wait3A_552] : memref<3x512x64xbf16, #tpu.memory_space<vmem>> -> memref<1x512x64xbf16, #tpu.memory_space<vmem>>
    %dma_wait3A_554 = tpu.memref_squeeze %dma_wait3A_553 : memref<1x512x64xbf16, #tpu.memory_space<vmem>> -> memref<512x64xbf16, #tpu.memory_space<vmem>>
    %dma_wait3A_555 = arith.constant 0 : i32
    %dma_wait3A_556 = tpu.memref_slice %arg8[%mul3A_2, %dma_wait3A_555] : memref<16384x64xbf16, #tpu.memory_space<hbm>> -> memref<512x64xbf16, #tpu.memory_space<hbm>>
    %dma_wait3A_557 = arith.constant 0 : i32
    %dma_wait3A_558 = tpu.memref_slice %arg8[%mul3A_2, %dma_wait3A_557] : memref<16384x64xbf16, #tpu.memory_space<hbm>> -> memref<512x64xbf16, #tpu.memory_space<hbm>>
    %dma_wait3A_559 = arith.constant 0 : i32
    %dma_wait3A_560 = arith.constant 0 : i32
    %dma_wait3A_561 = tpu.memref_slice %arg10[%dma_wait3A_550, %dma_wait3A_559, %dma_wait3A_560] : memref<3x512x64xbf16, #tpu.memory_space<vmem>> -> memref<1x512x64xbf16, #tpu.memory_space<vmem>>
    %dma_wait3A_562 = tpu.memref_squeeze %dma_wait3A_561 : memref<1x512x64xbf16, #tpu.memory_space<vmem>> -> memref<512x64xbf16, #tpu.memory_space<vmem>>
    tpu.wait_dma2 semaphore(%arg16 : memref<!tpu.dma_semaphore, #tpu.memory_space<semaphore_mem>>) src(%dma_wait3A_562 : memref<512x64xbf16, #tpu.memory_space<vmem>>) dst(%dma_wait3A_558 : memref<512x64xbf16, #tpu.memory_space<hbm>>)
    return
  }
}

module attributes {stable_mosaic.version = 14 : i64} {
  func.func @_tc_project_body(%arg0: i32, %arg1: memref<2048x64xbf16, #tpu.memory_space<vmem>>, %arg2: memref<2048x64xbf16, #tpu.memory_space<vmem>>, %arg3: memref<2048x64xbf16, #tpu.memory_space<vmem>>, %arg4: memref<2048x1xi32, #tpu.memory_space<vmem>>, %arg5: memref<64x64xf32, #tpu.memory_space<vmem>>, %arg6: memref<512x512xbf16, #tpu.memory_space<vmem>>, %arg7: memref<2048x64xf32, #tpu.memory_space<vmem>>, %arg8: memref<2048x64xf32, #tpu.memory_space<vmem>>, %arg9: memref<2048x64xf32, #tpu.memory_space<vmem>>, %arg10: memref<2048x64xf32, #tpu.memory_space<vmem>>) attributes {dimension_semantics = [#tpu.dimension_semantics<arbitrary>], iteration_bounds = array<i64: 8>, scalar_prefetch = 0 : i64, scratch_operands = 0 : i64, tpu.core_type = #tpu.core_type<tc>, window_params = [{transform_indices = @transform_0, window_bounds = array<i64: 2048, 64>}, {transform_indices = @transform_1, window_bounds = array<i64: 2048, 64>}, {transform_indices = @transform_2, window_bounds = array<i64: 2048, 64>}, {transform_indices = @transform_3, window_bounds = array<i64: 2048, 1>}, {pipeline_mode = #tpu.pipeline_mode<synchronous>, transform_indices = @transform_4, window_bounds = array<i64: 64, 64>}, {pipeline_mode = #tpu.pipeline_mode<synchronous>, transform_indices = @transform_5, window_bounds = array<i64: 512, 512>}, {transform_indices = @transform_6, window_bounds = array<i64: 2048, 64>}, {transform_indices = @transform_7, window_bounds = array<i64: 2048, 64>}, {transform_indices = @transform_8, window_bounds = array<i64: 2048, 64>}, {transform_indices = @transform_9, window_bounds = array<i64: 2048, 64>}]} {
    %get3A = arith.constant 0 : index
    %get3A_0 = arith.constant 0 : index
    %get3A_1 = vector.load %arg4[%get3A, %get3A_0] : memref<2048x1xi32, #tpu.memory_space<vmem>>, vector<2048x1xi32>
    %broadcast_in_dim3A = vector.shape_cast %get3A_1 : vector<2048x1xi32> to vector<2048x1xi32>
    %broadcast_in_dim3A_2 = vector.broadcast %broadcast_in_dim3A : vector<2048x1xi32> to vector<2048x64xi32>
    %jit3A = arith.constant 8 : i32
    %div3A = vector.broadcast %jit3A : i32 to vector<2048x64xi32>
    %div3A_3 = arith.divsi %broadcast_in_dim3A_2, %div3A : vector<2048x64xi32>
    %sign3A = arith.constant 0 : i32
    %sign3A_4 = vector.broadcast %sign3A : i32 to vector<2048x64xi32>
    %sign3A_5 = arith.cmpi sgt, %broadcast_in_dim3A_2, %sign3A_4 : vector<2048x64xi32>
    %sign3A_6 = arith.extui %sign3A_5 : vector<2048x64xi1> to vector<2048x64xi32>
    %sign3A_7 = arith.constant 0 : i32
    %sign3A_8 = vector.broadcast %sign3A_7 : i32 to vector<2048x64xi32>
    %sign3A_9 = arith.cmpi slt, %broadcast_in_dim3A_2, %sign3A_8 : vector<2048x64xi32>
    %sign3A_10 = arith.extui %sign3A_9 : vector<2048x64xi1> to vector<2048x64xi32>
    %sign3A_11 = arith.subi %sign3A_6, %sign3A_10 : vector<2048x64xi32>
    %sign3A_12 = arith.constant 0 : i32
    %sign3A_13 = arith.cmpi sgt, %jit3A, %sign3A_12 : i32
    %sign3A_14 = arith.extui %sign3A_13 : i1 to i32
    %sign3A_15 = arith.constant 0 : i32
    %sign3A_16 = arith.cmpi slt, %jit3A, %sign3A_15 : i32
    %sign3A_17 = arith.extui %sign3A_16 : i1 to i32
    %sign3A_18 = arith.subi %sign3A_14, %sign3A_17 : i32
    %ne3A = vector.broadcast %sign3A_18 : i32 to vector<2048x64xi32>
    %ne3A_19 = arith.cmpi ne, %sign3A_11, %ne3A : vector<2048x64xi32>
    %rem3A = vector.broadcast %jit3A : i32 to vector<2048x64xi32>
    %rem3A_20 = arith.remsi %broadcast_in_dim3A_2, %rem3A : vector<2048x64xi32>
    %ne3A_21 = arith.constant 0 : i32
    %ne3A_22 = vector.broadcast %ne3A_21 : i32 to vector<2048x64xi32>
    %ne3A_23 = arith.cmpi ne, %rem3A_20, %ne3A_22 : vector<2048x64xi32>
    %and3A = arith.andi %ne3A_19, %ne3A_23 : vector<2048x64xi1>
    %sub3A = arith.constant 1 : i32
    %sub3A_24 = vector.broadcast %sub3A : i32 to vector<2048x64xi32>
    %sub3A_25 = arith.subi %div3A_3, %sub3A_24 : vector<2048x64xi32>
    %select_n3A = arith.select %and3A, %sub3A_25, %div3A_3 : vector<2048x64xi1>, vector<2048x64xi32>
    %jit3A_26 = arith.constant 8 : i32
    %eq3A = arith.constant 0 : i32
    %eq3A_27 = arith.cmpi eq, %jit3A_26, %eq3A : i32
    %jit3A_28 = arith.constant 1 : i32
    %select_n3A_29 = arith.select %eq3A_27, %jit3A_28, %jit3A_26 : i32
    %rem3A_30 = vector.broadcast %select_n3A_29 : i32 to vector<2048x64xi32>
    %rem3A_31 = arith.remsi %broadcast_in_dim3A_2, %rem3A_30 : vector<2048x64xi32>
    %ne3A_32 = arith.constant 0 : i32
    %ne3A_33 = vector.broadcast %ne3A_32 : i32 to vector<2048x64xi32>
    %ne3A_34 = arith.cmpi ne, %rem3A_31, %ne3A_33 : vector<2048x64xi32>
    %lt3A = arith.constant 0 : i32
    %lt3A_35 = vector.broadcast %lt3A : i32 to vector<2048x64xi32>
    %lt3A_36 = arith.cmpi slt, %rem3A_31, %lt3A_35 : vector<2048x64xi32>
    %lt3A_37 = arith.constant 0 : i32
    %lt3A_38 = arith.cmpi slt, %select_n3A_29, %lt3A_37 : i32
    %ne3A_39 = vector.broadcast %lt3A_38 : i1 to vector<2048x64xi1>
    %ne3A_40 = vector.broadcast %ne3A_39 : vector<2048x64xi1> to vector<2048x64xi1>
    %ne3A_41 = arith.xori %lt3A_36, %ne3A_40 : vector<2048x64xi1>
    %and3A_42 = arith.andi %ne3A_41, %ne3A_34 : vector<2048x64xi1>
    %add3A = vector.broadcast %select_n3A_29 : i32 to vector<2048x64xi32>
    %add3A_43 = arith.addi %rem3A_31, %add3A : vector<2048x64xi32>
    %select_n3A_44 = arith.select %and3A_42, %add3A_43, %rem3A_31 : vector<2048x64xi1>, vector<2048x64xi32>
    %eq3A_45 = arith.constant 0 : i32
    %eq3A_46 = vector.broadcast %eq3A_45 : i32 to vector<2048x64xi32>
    %eq3A_47 = arith.cmpi eq, %select_n3A, %eq3A_46 : vector<2048x64xi32>
    %eq3A_48 = arith.constant 1 : i32
    %eq3A_49 = vector.broadcast %eq3A_48 : i32 to vector<2048x64xi32>
    %eq3A_50 = arith.cmpi eq, %select_n3A, %eq3A_49 : vector<2048x64xi32>
    %eq3A_51 = arith.constant 2 : i32
    %eq3A_52 = vector.broadcast %eq3A_51 : i32 to vector<2048x64xi32>
    %eq3A_53 = arith.cmpi eq, %select_n3A, %eq3A_52 : vector<2048x64xi32>
    %eq3A_54 = arith.constant 3 : i32
    %eq3A_55 = vector.broadcast %eq3A_54 : i32 to vector<2048x64xi32>
    %eq3A_56 = arith.cmpi eq, %select_n3A, %eq3A_55 : vector<2048x64xi32>
    %eq3A_57 = arith.constant 4 : i32
    %eq3A_58 = vector.broadcast %eq3A_57 : i32 to vector<2048x64xi32>
    %eq3A_59 = arith.cmpi eq, %select_n3A, %eq3A_58 : vector<2048x64xi32>
    %eq3A_60 = arith.constant 5 : i32
    %eq3A_61 = vector.broadcast %eq3A_60 : i32 to vector<2048x64xi32>
    %eq3A_62 = arith.cmpi eq, %select_n3A, %eq3A_61 : vector<2048x64xi32>
    %eq3A_63 = arith.constant 6 : i32
    %eq3A_64 = vector.broadcast %eq3A_63 : i32 to vector<2048x64xi32>
    %eq3A_65 = arith.cmpi eq, %select_n3A, %eq3A_64 : vector<2048x64xi32>
    %eq3A_66 = arith.constant 7 : i32
    %eq3A_67 = vector.broadcast %eq3A_66 : i32 to vector<2048x64xi32>
    %eq3A_68 = arith.cmpi eq, %select_n3A, %eq3A_67 : vector<2048x64xi32>
    %eq3A_69 = arith.constant 0 : i32
    %eq3A_70 = vector.broadcast %eq3A_69 : i32 to vector<2048x64xi32>
    %eq3A_71 = arith.cmpi eq, %select_n3A_44, %eq3A_70 : vector<2048x64xi32>
    %eq3A_72 = arith.constant 1 : i32
    %eq3A_73 = vector.broadcast %eq3A_72 : i32 to vector<2048x64xi32>
    %eq3A_74 = arith.cmpi eq, %select_n3A_44, %eq3A_73 : vector<2048x64xi32>
    %eq3A_75 = arith.constant 2 : i32
    %eq3A_76 = vector.broadcast %eq3A_75 : i32 to vector<2048x64xi32>
    %eq3A_77 = arith.cmpi eq, %select_n3A_44, %eq3A_76 : vector<2048x64xi32>
    %eq3A_78 = arith.constant 3 : i32
    %eq3A_79 = vector.broadcast %eq3A_78 : i32 to vector<2048x64xi32>
    %eq3A_80 = arith.cmpi eq, %select_n3A_44, %eq3A_79 : vector<2048x64xi32>
    %eq3A_81 = arith.constant 4 : i32
    %eq3A_82 = vector.broadcast %eq3A_81 : i32 to vector<2048x64xi32>
    %eq3A_83 = arith.cmpi eq, %select_n3A_44, %eq3A_82 : vector<2048x64xi32>
    %eq3A_84 = arith.constant 5 : i32
    %eq3A_85 = vector.broadcast %eq3A_84 : i32 to vector<2048x64xi32>
    %eq3A_86 = arith.cmpi eq, %select_n3A_44, %eq3A_85 : vector<2048x64xi32>
    %eq3A_87 = arith.constant 6 : i32
    %eq3A_88 = vector.broadcast %eq3A_87 : i32 to vector<2048x64xi32>
    %eq3A_89 = arith.cmpi eq, %select_n3A_44, %eq3A_88 : vector<2048x64xi32>
    %eq3A_90 = arith.constant 7 : i32
    %eq3A_91 = vector.broadcast %eq3A_90 : i32 to vector<2048x64xi32>
    %eq3A_92 = arith.cmpi eq, %select_n3A_44, %eq3A_91 : vector<2048x64xi32>
    %get3A_93 = arith.constant 0 : index
    %get3A_94 = arith.constant 0 : index
    %get3A_95 = vector.load %arg6[%get3A_93, %get3A_94] : memref<512x512xbf16, #tpu.memory_space<vmem>>, vector<512x512xbf16>
    %get3A_96 = arith.constant 0 : index
    %get3A_97 = arith.constant 0 : index
    %get3A_98 = vector.load %arg1[%get3A_96, %get3A_97] : memref<2048x64xbf16, #tpu.memory_space<vmem>>, vector<2048x64xbf16>
    %broadcast_in_dim3A_99 = arith.constant 0.000000e+00 : bf16
    %broadcast_in_dim3A_100 = vector.broadcast %broadcast_in_dim3A_99 : bf16 to vector<2048x64xbf16>
    %select_n3A_101 = arith.select %eq3A_47, %get3A_98, %broadcast_in_dim3A_100 : vector<2048x64xi1>, vector<2048x64xbf16>
    %select_n3A_102 = arith.select %eq3A_50, %get3A_98, %broadcast_in_dim3A_100 : vector<2048x64xi1>, vector<2048x64xbf16>
    %select_n3A_103 = arith.select %eq3A_53, %get3A_98, %broadcast_in_dim3A_100 : vector<2048x64xi1>, vector<2048x64xbf16>
    %select_n3A_104 = arith.select %eq3A_56, %get3A_98, %broadcast_in_dim3A_100 : vector<2048x64xi1>, vector<2048x64xbf16>
    %select_n3A_105 = arith.select %eq3A_59, %get3A_98, %broadcast_in_dim3A_100 : vector<2048x64xi1>, vector<2048x64xbf16>
    %select_n3A_106 = arith.select %eq3A_62, %get3A_98, %broadcast_in_dim3A_100 : vector<2048x64xi1>, vector<2048x64xbf16>
    %select_n3A_107 = arith.select %eq3A_65, %get3A_98, %broadcast_in_dim3A_100 : vector<2048x64xi1>, vector<2048x64xbf16>
    %select_n3A_108 = arith.select %eq3A_68, %get3A_98, %broadcast_in_dim3A_100 : vector<2048x64xi1>, vector<2048x64xbf16>
    %concatenate3A = tpu.concatenate %select_n3A_101, %select_n3A_102, %select_n3A_103, %select_n3A_104, %select_n3A_105, %select_n3A_106, %select_n3A_107, %select_n3A_108 in 1 : vector<2048x64xbf16>, vector<2048x64xbf16>, vector<2048x64xbf16>, vector<2048x64xbf16>, vector<2048x64xbf16>, vector<2048x64xbf16>, vector<2048x64xbf16>, vector<2048x64xbf16> -> vector<2048x512xbf16>
    %dot_general3A = arith.constant dense<0.000000e+00> : vector<2048x512xf32>
    %dot_general3A_109 = tpu.matmul %concatenate3A, %get3A_95, %dot_general3A {dimension_numbers = #tpu.dot_dimension_numbers<[1], [0], [0], [1], [0, 0, 1, 1], [], []>, transpose_lhs_hint = false} : vector<2048x512xbf16>, vector<512x512xbf16>, vector<2048x512xf32> -> vector<2048x512xf32>
    %convert_element_type3A = arith.truncf %dot_general3A_109 : vector<2048x512xf32> to vector<2048x512xbf16>
    %broadcast_in_dim3A_110 = arith.constant 0.000000e+00 : bf16
    %broadcast_in_dim3A_111 = vector.broadcast %broadcast_in_dim3A_110 : bf16 to vector<2048x64xbf16>
    %slice3A = vector.extract_strided_slice %convert_element_type3A {offsets = [0, 0], sizes = [2048, 64], strides = [1, 1]} : vector<2048x512xbf16> to vector<2048x64xbf16>
    %select_n3A_112 = arith.select %eq3A_71, %slice3A, %broadcast_in_dim3A_111 : vector<2048x64xi1>, vector<2048x64xbf16>
    %slice3A_113 = vector.extract_strided_slice %convert_element_type3A {offsets = [0, 64], sizes = [2048, 64], strides = [1, 1]} : vector<2048x512xbf16> to vector<2048x64xbf16>
    %select_n3A_114 = arith.select %eq3A_74, %slice3A_113, %broadcast_in_dim3A_111 : vector<2048x64xi1>, vector<2048x64xbf16>
    %add3A_115 = arith.addf %select_n3A_112, %select_n3A_114 : vector<2048x64xbf16>
    %slice3A_116 = vector.extract_strided_slice %convert_element_type3A {offsets = [0, 128], sizes = [2048, 64], strides = [1, 1]} : vector<2048x512xbf16> to vector<2048x64xbf16>
    %select_n3A_117 = arith.select %eq3A_77, %slice3A_116, %broadcast_in_dim3A_111 : vector<2048x64xi1>, vector<2048x64xbf16>
    %add3A_118 = arith.addf %add3A_115, %select_n3A_117 : vector<2048x64xbf16>
    %slice3A_119 = vector.extract_strided_slice %convert_element_type3A {offsets = [0, 192], sizes = [2048, 64], strides = [1, 1]} : vector<2048x512xbf16> to vector<2048x64xbf16>
    %select_n3A_120 = arith.select %eq3A_80, %slice3A_119, %broadcast_in_dim3A_111 : vector<2048x64xi1>, vector<2048x64xbf16>
    %add3A_121 = arith.addf %add3A_118, %select_n3A_120 : vector<2048x64xbf16>
    %slice3A_122 = vector.extract_strided_slice %convert_element_type3A {offsets = [0, 256], sizes = [2048, 64], strides = [1, 1]} : vector<2048x512xbf16> to vector<2048x64xbf16>
    %select_n3A_123 = arith.select %eq3A_83, %slice3A_122, %broadcast_in_dim3A_111 : vector<2048x64xi1>, vector<2048x64xbf16>
    %add3A_124 = arith.addf %add3A_121, %select_n3A_123 : vector<2048x64xbf16>
    %slice3A_125 = vector.extract_strided_slice %convert_element_type3A {offsets = [0, 320], sizes = [2048, 64], strides = [1, 1]} : vector<2048x512xbf16> to vector<2048x64xbf16>
    %select_n3A_126 = arith.select %eq3A_86, %slice3A_125, %broadcast_in_dim3A_111 : vector<2048x64xi1>, vector<2048x64xbf16>
    %add3A_127 = arith.addf %add3A_124, %select_n3A_126 : vector<2048x64xbf16>
    %slice3A_128 = vector.extract_strided_slice %convert_element_type3A {offsets = [0, 384], sizes = [2048, 64], strides = [1, 1]} : vector<2048x512xbf16> to vector<2048x64xbf16>
    %select_n3A_129 = arith.select %eq3A_89, %slice3A_128, %broadcast_in_dim3A_111 : vector<2048x64xi1>, vector<2048x64xbf16>
    %add3A_130 = arith.addf %add3A_127, %select_n3A_129 : vector<2048x64xbf16>
    %slice3A_131 = vector.extract_strided_slice %convert_element_type3A {offsets = [0, 448], sizes = [2048, 64], strides = [1, 1]} : vector<2048x512xbf16> to vector<2048x64xbf16>
    %select_n3A_132 = arith.select %eq3A_92, %slice3A_131, %broadcast_in_dim3A_111 : vector<2048x64xi1>, vector<2048x64xbf16>
    %add3A_133 = arith.addf %add3A_130, %select_n3A_132 : vector<2048x64xbf16>
    %convert_element_type3A_134 = arith.extf %add3A_133 : vector<2048x64xbf16> to vector<2048x64xf32>
    %swap3A = arith.constant 0 : index
    %swap3A_135 = arith.constant 0 : index
    %swap3A_136 = vector.load %arg7[%swap3A, %swap3A_135] : memref<2048x64xf32, #tpu.memory_space<vmem>>, vector<2048x64xf32>
    tpu.vector_store %arg7[%swap3A, %swap3A_135], %convert_element_type3A_134 {strides = array<i32>} : memref<2048x64xf32, #tpu.memory_space<vmem>>, vector<2048x64xf32>,
    %get3A_137 = arith.constant 0 : index
    %get3A_138 = arith.constant 0 : index
    %get3A_139 = vector.load %arg2[%get3A_137, %get3A_138] : memref<2048x64xbf16, #tpu.memory_space<vmem>>, vector<2048x64xbf16>
    %broadcast_in_dim3A_140 = arith.constant 0.000000e+00 : bf16
    %broadcast_in_dim3A_141 = vector.broadcast %broadcast_in_dim3A_140 : bf16 to vector<2048x64xbf16>
    %select_n3A_142 = arith.select %eq3A_47, %get3A_139, %broadcast_in_dim3A_141 : vector<2048x64xi1>, vector<2048x64xbf16>
    %select_n3A_143 = arith.select %eq3A_50, %get3A_139, %broadcast_in_dim3A_141 : vector<2048x64xi1>, vector<2048x64xbf16>
    %select_n3A_144 = arith.select %eq3A_53, %get3A_139, %broadcast_in_dim3A_141 : vector<2048x64xi1>, vector<2048x64xbf16>
    %select_n3A_145 = arith.select %eq3A_56, %get3A_139, %broadcast_in_dim3A_141 : vector<2048x64xi1>, vector<2048x64xbf16>
    %select_n3A_146 = arith.select %eq3A_59, %get3A_139, %broadcast_in_dim3A_141 : vector<2048x64xi1>, vector<2048x64xbf16>
    %select_n3A_147 = arith.select %eq3A_62, %get3A_139, %broadcast_in_dim3A_141 : vector<2048x64xi1>, vector<2048x64xbf16>
    %select_n3A_148 = arith.select %eq3A_65, %get3A_139, %broadcast_in_dim3A_141 : vector<2048x64xi1>, vector<2048x64xbf16>
    %select_n3A_149 = arith.select %eq3A_68, %get3A_139, %broadcast_in_dim3A_141 : vector<2048x64xi1>, vector<2048x64xbf16>
    %concatenate3A_150 = tpu.concatenate %select_n3A_142, %select_n3A_143, %select_n3A_144, %select_n3A_145, %select_n3A_146, %select_n3A_147, %select_n3A_148, %select_n3A_149 in 1 : vector<2048x64xbf16>, vector<2048x64xbf16>, vector<2048x64xbf16>, vector<2048x64xbf16>, vector<2048x64xbf16>, vector<2048x64xbf16>, vector<2048x64xbf16>, vector<2048x64xbf16> -> vector<2048x512xbf16>
    %dot_general3A_151 = arith.constant dense<0.000000e+00> : vector<2048x512xf32>
    %dot_general3A_152 = tpu.matmul %concatenate3A_150, %get3A_95, %dot_general3A_151 {dimension_numbers = #tpu.dot_dimension_numbers<[1], [0], [0], [1], [0, 0, 1, 1], [], []>, transpose_lhs_hint = false} : vector<2048x512xbf16>, vector<512x512xbf16>, vector<2048x512xf32> -> vector<2048x512xf32>
    %convert_element_type3A_153 = arith.truncf %dot_general3A_152 : vector<2048x512xf32> to vector<2048x512xbf16>
    %broadcast_in_dim3A_154 = arith.constant 0.000000e+00 : bf16
    %broadcast_in_dim3A_155 = vector.broadcast %broadcast_in_dim3A_154 : bf16 to vector<2048x64xbf16>
    %slice3A_156 = vector.extract_strided_slice %convert_element_type3A_153 {offsets = [0, 0], sizes = [2048, 64], strides = [1, 1]} : vector<2048x512xbf16> to vector<2048x64xbf16>
    %select_n3A_157 = arith.select %eq3A_71, %slice3A_156, %broadcast_in_dim3A_155 : vector<2048x64xi1>, vector<2048x64xbf16>
    %slice3A_158 = vector.extract_strided_slice %convert_element_type3A_153 {offsets = [0, 64], sizes = [2048, 64], strides = [1, 1]} : vector<2048x512xbf16> to vector<2048x64xbf16>
    %select_n3A_159 = arith.select %eq3A_74, %slice3A_158, %broadcast_in_dim3A_155 : vector<2048x64xi1>, vector<2048x64xbf16>
    %add3A_160 = arith.addf %select_n3A_157, %select_n3A_159 : vector<2048x64xbf16>
    %slice3A_161 = vector.extract_strided_slice %convert_element_type3A_153 {offsets = [0, 128], sizes = [2048, 64], strides = [1, 1]} : vector<2048x512xbf16> to vector<2048x64xbf16>
    %select_n3A_162 = arith.select %eq3A_77, %slice3A_161, %broadcast_in_dim3A_155 : vector<2048x64xi1>, vector<2048x64xbf16>
    %add3A_163 = arith.addf %add3A_160, %select_n3A_162 : vector<2048x64xbf16>
    %slice3A_164 = vector.extract_strided_slice %convert_element_type3A_153 {offsets = [0, 192], sizes = [2048, 64], strides = [1, 1]} : vector<2048x512xbf16> to vector<2048x64xbf16>
    %select_n3A_165 = arith.select %eq3A_80, %slice3A_164, %broadcast_in_dim3A_155 : vector<2048x64xi1>, vector<2048x64xbf16>
    %add3A_166 = arith.addf %add3A_163, %select_n3A_165 : vector<2048x64xbf16>
    %slice3A_167 = vector.extract_strided_slice %convert_element_type3A_153 {offsets = [0, 256], sizes = [2048, 64], strides = [1, 1]} : vector<2048x512xbf16> to vector<2048x64xbf16>
    %select_n3A_168 = arith.select %eq3A_83, %slice3A_167, %broadcast_in_dim3A_155 : vector<2048x64xi1>, vector<2048x64xbf16>
    %add3A_169 = arith.addf %add3A_166, %select_n3A_168 : vector<2048x64xbf16>
    %slice3A_170 = vector.extract_strided_slice %convert_element_type3A_153 {offsets = [0, 320], sizes = [2048, 64], strides = [1, 1]} : vector<2048x512xbf16> to vector<2048x64xbf16>
    %select_n3A_171 = arith.select %eq3A_86, %slice3A_170, %broadcast_in_dim3A_155 : vector<2048x64xi1>, vector<2048x64xbf16>
    %add3A_172 = arith.addf %add3A_169, %select_n3A_171 : vector<2048x64xbf16>
    %slice3A_173 = vector.extract_strided_slice %convert_element_type3A_153 {offsets = [0, 384], sizes = [2048, 64], strides = [1, 1]} : vector<2048x512xbf16> to vector<2048x64xbf16>
    %select_n3A_174 = arith.select %eq3A_89, %slice3A_173, %broadcast_in_dim3A_155 : vector<2048x64xi1>, vector<2048x64xbf16>
    %add3A_175 = arith.addf %add3A_172, %select_n3A_174 : vector<2048x64xbf16>
    %slice3A_176 = vector.extract_strided_slice %convert_element_type3A_153 {offsets = [0, 448], sizes = [2048, 64], strides = [1, 1]} : vector<2048x512xbf16> to vector<2048x64xbf16>
    %select_n3A_177 = arith.select %eq3A_92, %slice3A_176, %broadcast_in_dim3A_155 : vector<2048x64xi1>, vector<2048x64xbf16>
    %add3A_178 = arith.addf %add3A_175, %select_n3A_177 : vector<2048x64xbf16>
    %convert_element_type3A_179 = arith.extf %add3A_178 : vector<2048x64xbf16> to vector<2048x64xf32>
    %swap3A_180 = arith.constant 0 : index
    %swap3A_181 = arith.constant 0 : index
    %swap3A_182 = vector.load %arg9[%swap3A_180, %swap3A_181] : memref<2048x64xf32, #tpu.memory_space<vmem>>, vector<2048x64xf32>
    tpu.vector_store %arg9[%swap3A_180, %swap3A_181], %convert_element_type3A_179 {strides = array<i32>} : memref<2048x64xf32, #tpu.memory_space<vmem>>, vector<2048x64xf32>,
    %get3A_183 = arith.constant 0 : index
    %get3A_184 = arith.constant 0 : index
    %get3A_185 = vector.load %arg3[%get3A_183, %get3A_184] : memref<2048x64xbf16, #tpu.memory_space<vmem>>, vector<2048x64xbf16>
    %broadcast_in_dim3A_186 = arith.constant 0.000000e+00 : bf16
    %broadcast_in_dim3A_187 = vector.broadcast %broadcast_in_dim3A_186 : bf16 to vector<2048x64xbf16>
    %select_n3A_188 = arith.select %eq3A_47, %get3A_185, %broadcast_in_dim3A_187 : vector<2048x64xi1>, vector<2048x64xbf16>
    %select_n3A_189 = arith.select %eq3A_50, %get3A_185, %broadcast_in_dim3A_187 : vector<2048x64xi1>, vector<2048x64xbf16>
    %select_n3A_190 = arith.select %eq3A_53, %get3A_185, %broadcast_in_dim3A_187 : vector<2048x64xi1>, vector<2048x64xbf16>
    %select_n3A_191 = arith.select %eq3A_56, %get3A_185, %broadcast_in_dim3A_187 : vector<2048x64xi1>, vector<2048x64xbf16>
    %select_n3A_192 = arith.select %eq3A_59, %get3A_185, %broadcast_in_dim3A_187 : vector<2048x64xi1>, vector<2048x64xbf16>
    %select_n3A_193 = arith.select %eq3A_62, %get3A_185, %broadcast_in_dim3A_187 : vector<2048x64xi1>, vector<2048x64xbf16>
    %select_n3A_194 = arith.select %eq3A_65, %get3A_185, %broadcast_in_dim3A_187 : vector<2048x64xi1>, vector<2048x64xbf16>
    %select_n3A_195 = arith.select %eq3A_68, %get3A_185, %broadcast_in_dim3A_187 : vector<2048x64xi1>, vector<2048x64xbf16>
    %concatenate3A_196 = tpu.concatenate %select_n3A_188, %select_n3A_189, %select_n3A_190, %select_n3A_191, %select_n3A_192, %select_n3A_193, %select_n3A_194, %select_n3A_195 in 1 : vector<2048x64xbf16>, vector<2048x64xbf16>, vector<2048x64xbf16>, vector<2048x64xbf16>, vector<2048x64xbf16>, vector<2048x64xbf16>, vector<2048x64xbf16>, vector<2048x64xbf16> -> vector<2048x512xbf16>
    %dot_general3A_197 = arith.constant dense<0.000000e+00> : vector<2048x512xf32>
    %dot_general3A_198 = tpu.matmul %concatenate3A_196, %get3A_95, %dot_general3A_197 {dimension_numbers = #tpu.dot_dimension_numbers<[1], [0], [0], [1], [0, 0, 1, 1], [], []>, transpose_lhs_hint = false} : vector<2048x512xbf16>, vector<512x512xbf16>, vector<2048x512xf32> -> vector<2048x512xf32>
    %convert_element_type3A_199 = arith.truncf %dot_general3A_198 : vector<2048x512xf32> to vector<2048x512xbf16>
    %broadcast_in_dim3A_200 = arith.constant 0.000000e+00 : bf16
    %broadcast_in_dim3A_201 = vector.broadcast %broadcast_in_dim3A_200 : bf16 to vector<2048x64xbf16>
    %slice3A_202 = vector.extract_strided_slice %convert_element_type3A_199 {offsets = [0, 0], sizes = [2048, 64], strides = [1, 1]} : vector<2048x512xbf16> to vector<2048x64xbf16>
    %select_n3A_203 = arith.select %eq3A_71, %slice3A_202, %broadcast_in_dim3A_201 : vector<2048x64xi1>, vector<2048x64xbf16>
    %slice3A_204 = vector.extract_strided_slice %convert_element_type3A_199 {offsets = [0, 64], sizes = [2048, 64], strides = [1, 1]} : vector<2048x512xbf16> to vector<2048x64xbf16>
    %select_n3A_205 = arith.select %eq3A_74, %slice3A_204, %broadcast_in_dim3A_201 : vector<2048x64xi1>, vector<2048x64xbf16>
    %add3A_206 = arith.addf %select_n3A_203, %select_n3A_205 : vector<2048x64xbf16>
    %slice3A_207 = vector.extract_strided_slice %convert_element_type3A_199 {offsets = [0, 128], sizes = [2048, 64], strides = [1, 1]} : vector<2048x512xbf16> to vector<2048x64xbf16>
    %select_n3A_208 = arith.select %eq3A_77, %slice3A_207, %broadcast_in_dim3A_201 : vector<2048x64xi1>, vector<2048x64xbf16>
    %add3A_209 = arith.addf %add3A_206, %select_n3A_208 : vector<2048x64xbf16>
    %slice3A_210 = vector.extract_strided_slice %convert_element_type3A_199 {offsets = [0, 192], sizes = [2048, 64], strides = [1, 1]} : vector<2048x512xbf16> to vector<2048x64xbf16>
    %select_n3A_211 = arith.select %eq3A_80, %slice3A_210, %broadcast_in_dim3A_201 : vector<2048x64xi1>, vector<2048x64xbf16>
    %add3A_212 = arith.addf %add3A_209, %select_n3A_211 : vector<2048x64xbf16>
    %slice3A_213 = vector.extract_strided_slice %convert_element_type3A_199 {offsets = [0, 256], sizes = [2048, 64], strides = [1, 1]} : vector<2048x512xbf16> to vector<2048x64xbf16>
    %select_n3A_214 = arith.select %eq3A_83, %slice3A_213, %broadcast_in_dim3A_201 : vector<2048x64xi1>, vector<2048x64xbf16>
    %add3A_215 = arith.addf %add3A_212, %select_n3A_214 : vector<2048x64xbf16>
    %slice3A_216 = vector.extract_strided_slice %convert_element_type3A_199 {offsets = [0, 320], sizes = [2048, 64], strides = [1, 1]} : vector<2048x512xbf16> to vector<2048x64xbf16>
    %select_n3A_217 = arith.select %eq3A_86, %slice3A_216, %broadcast_in_dim3A_201 : vector<2048x64xi1>, vector<2048x64xbf16>
    %add3A_218 = arith.addf %add3A_215, %select_n3A_217 : vector<2048x64xbf16>
    %slice3A_219 = vector.extract_strided_slice %convert_element_type3A_199 {offsets = [0, 384], sizes = [2048, 64], strides = [1, 1]} : vector<2048x512xbf16> to vector<2048x64xbf16>
    %select_n3A_220 = arith.select %eq3A_89, %slice3A_219, %broadcast_in_dim3A_201 : vector<2048x64xi1>, vector<2048x64xbf16>
    %add3A_221 = arith.addf %add3A_218, %select_n3A_220 : vector<2048x64xbf16>
    %slice3A_222 = vector.extract_strided_slice %convert_element_type3A_199 {offsets = [0, 448], sizes = [2048, 64], strides = [1, 1]} : vector<2048x512xbf16> to vector<2048x64xbf16>
    %select_n3A_223 = arith.select %eq3A_92, %slice3A_222, %broadcast_in_dim3A_201 : vector<2048x64xi1>, vector<2048x64xbf16>
    %add3A_224 = arith.addf %add3A_221, %select_n3A_223 : vector<2048x64xbf16>
    %convert_element_type3A_225 = arith.extf %add3A_224 : vector<2048x64xbf16> to vector<2048x64xf32>
    %swap3A_226 = arith.constant 0 : index
    %swap3A_227 = arith.constant 0 : index
    %swap3A_228 = vector.load %arg10[%swap3A_226, %swap3A_227] : memref<2048x64xf32, #tpu.memory_space<vmem>>, vector<2048x64xf32>
    tpu.vector_store %arg10[%swap3A_226, %swap3A_227], %convert_element_type3A_225 {strides = array<i32>} : memref<2048x64xf32, #tpu.memory_space<vmem>>, vector<2048x64xf32>,
    %iota3A = tpu.iota {dimensions = array<i32: 1>} : vector<2048x64xi32>
    %eq3A_229 = vector.broadcast %get3A_1 : vector<2048x1xi32> to vector<2048x64xi32>
    %eq3A_230 = arith.cmpi eq, %eq3A_229, %iota3A : vector<2048x64xi32>
    %convert_element_type3A_231 = arith.extui %eq3A_230 : vector<2048x64xi1> to vector<2048x64xi32>
    %convert_element_type3A_232 = arith.sitofp %convert_element_type3A_231 : vector<2048x64xi32> to vector<2048x64xf32>
    %get3A_233 = arith.constant 0 : index
    %get3A_234 = arith.constant 0 : index
    %get3A_235 = vector.load %arg5[%get3A_233, %get3A_234] : memref<64x64xf32, #tpu.memory_space<vmem>>, vector<64x64xf32>
    %dot_general3A_236 = arith.constant dense<0.000000e+00> : vector<2048x64xf32>
    %dot_general3A_237 = tpu.matmul %convert_element_type3A_232, %get3A_235, %dot_general3A_236 {dimension_numbers = #tpu.dot_dimension_numbers<[1], [0], [0], [1], [0, 0, 1, 1], [], []>, transpose_lhs_hint = false} : vector<2048x64xf32>, vector<64x64xf32>, vector<2048x64xf32> -> vector<2048x64xf32>
    %swap3A_238 = arith.constant 0 : index
    %swap3A_239 = arith.constant 0 : index
    %swap3A_240 = vector.load %arg8[%swap3A_238, %swap3A_239] : memref<2048x64xf32, #tpu.memory_space<vmem>>, vector<2048x64xf32>
    tpu.vector_store %arg8[%swap3A_238, %swap3A_239], %dot_general3A_237 {strides = array<i32>} : memref<2048x64xf32, #tpu.memory_space<vmem>>, vector<2048x64xf32>,
    return
  }
  func.func @transform_0(%arg0: i32) -> (i32, i32) {
    %c0_i32 = arith.constant 0 : i32
    %c0_i32_0 = arith.constant 0 : i32
    return %arg0, %c0_i32 : i32, i32
  }
  func.func @transform_1(%arg0: i32) -> (i32, i32) {
    %c0_i32 = arith.constant 0 : i32
    %c0_i32_0 = arith.constant 0 : i32
    return %arg0, %c0_i32 : i32, i32
  }
  func.func @transform_2(%arg0: i32) -> (i32, i32) {
    %c0_i32 = arith.constant 0 : i32
    %c0_i32_0 = arith.constant 0 : i32
    return %arg0, %c0_i32 : i32, i32
  }
  func.func @transform_3(%arg0: i32) -> (i32, i32) {
    %c0_i32 = arith.constant 0 : i32
    %c0_i32_0 = arith.constant 0 : i32
    return %arg0, %c0_i32 : i32, i32
  }
  func.func @transform_4(%arg0: i32) -> (i32, i32) {
    %c0_i32 = arith.constant 0 : i32
    %c0_i32_0 = arith.constant 0 : i32
    %c0_i32_1 = arith.constant 0 : i32
    return %c0_i32, %c0_i32_0 : i32, i32
  }
  func.func @transform_5(%arg0: i32) -> (i32, i32) {
    %c0_i32 = arith.constant 0 : i32
    %c0_i32_0 = arith.constant 0 : i32
    %c0_i32_1 = arith.constant 0 : i32
    return %c0_i32, %c0_i32_0 : i32, i32
  }
  func.func @transform_6(%arg0: i32) -> (i32, i32) {
    %c0_i32 = arith.constant 0 : i32
    %c0_i32_0 = arith.constant 0 : i32
    return %arg0, %c0_i32 : i32, i32
  }
  func.func @transform_7(%arg0: i32) -> (i32, i32) {
    %c0_i32 = arith.constant 0 : i32
    %c0_i32_0 = arith.constant 0 : i32
    return %arg0, %c0_i32 : i32, i32
  }
  func.func @transform_8(%arg0: i32) -> (i32, i32) {
    %c0_i32 = arith.constant 0 : i32
    %c0_i32_0 = arith.constant 0 : i32
    return %arg0, %c0_i32 : i32, i32
  }
  func.func @transform_9(%arg0: i32) -> (i32, i32) {
    %c0_i32 = arith.constant 0 : i32
    %c0_i32_0 = arith.constant 0 : i32
    return %arg0, %c0_i32 : i32, i32
  }
}

</mosaic_0001>

<sc_bundles>
// kernel: kernel.4.cloned.1.call-start
scs
__scs_entry_jumppad:
0x0: {  	(pc) =	sbr.rel $0x88, $3  }
0x1: {  	(tag) =	ssettag $0x0;
	lr =	simm.s32 $0x1  }
0x2: {  	[smem:$0x3F99] =	sst lr;
	_ =	strace $0xD0000000  }
0x3: {  	_ = 	snop  }
0x4: {  	_ = 	snop  }
0x5: {  	_ = 	snop  }
0x6: {  	_ = 	snop  }
0x7: {  	_ = 	snop  }
__scs_overlays_trampoline_lowered:
0x8: {  	[smem:$0x3FA8] =	sst s0  }
0x9: {  	[smem:$0x3FA9] =	sst s1  }
0xa: {  	[smem:$0x3FAA] =	sst s2  }
0xb: {  	[smem:$0x3FAB] =	sst s3  }
0xc: {  	[smem:$0x3FAC] =	sst s4  }
0xd: {  	[smem:$0x3FAD] =	sst s5  }
0xe: {  	[smem:$0x3FAE] =	sst s6  }
0xf: {  	[smem:$0x3FAF] =	sst s7  }
0x10: {  	[smem:$0x3FB0] =	sst s8  }
0x11: {  	[smem:$0x3FB1] =	sst s9;
	s0 =	simm.s32 @!p0 $0x0  }
0x12: {  	s1 =	sld [smem:$0x3F97];
	s0 =	simm.s32 @p0 $0x1  }
0x13: {  	[smem:$0x3FB2] =	sst s0;
	s0 =	simm.s32 @!p1 $0x0  }
0x14: {  	s2 =	sld [smem:$0x3F96];
	s0 =	simm.s32 @p1 $0x1  }
0x15: {  	[smem:$0x3FB3] =	sst s0;
	s0 =	simm.s32 @!p2 $0x0  }
0x16: {  	s3 =	sld [smem:$0x3FDB];
	s0 =	simm.s32 @p2 $0x1  }
0x17: {  	s4 =	simm.s32 $0x1BF5;
	[smem:$0x3FB5] =	sst s0  }
0x18: {  	s0 =	sld [smem:$0x3F98];
	_ =	swait.ge [sflag:s4], $0x0  }
0x19: {  	s7 =	sld [smem:$0x3F99]  }
0x1a: {  	s8 =	sadd.s32 $0xFFFFE003, lr  }
0x1b: {  	s9 =	sadd.s32 $0xFFFFFEF7, lr;
	s5 =	simm.s32 $0xFFFFFFFF;
	p2 =	slt.u32 s8, $0xFFFFF086  }
0x1c: {  	p1 =	slt.u32 s9, $0xF7A;
	s5 =	simm.s32 @!p2 $0x0  }
0x1d: {  	s5 =	simm.s32 @p1 $0x1;
	p0 =	seq.s32 s7, s2  }
0x1e: {  	s7 =	smul.u32 @!p0 $0xF7A, s2;
	p2 =	seq.s32 @!p0 s5, $0x0  }
0x1f: {  	s9 =	smul.u32 $0xF7A, s1;
	s8 =	simm.s32 @!p0 $0x1BF5;
	p2 =	por !p2, p0  }
0x20: {  	[sflag:s8] =	ssyncset.s32 @!p0 $0xFFFFF086;
	s6 =	sadd.s32 @!p0 s3, s7;
	s7 =	simm.s32 @!p0 $0x108  }
0x21: {  	s3 =	sadd.s32 s3, s9;
	s6 =	sadd.s32 @!p0 $0x88, s6;
	s7 =	simm.s32 @p2 $0x1082  }
0x22: {  	[simem:s7], [sflag:s8] =	dma.local @!p0 [hbm:s6], $0xF7A  }
0x23: {  	s9 =	sor.u32 $0xD0000000, s2;
	s6 =	simm.s32 $0x108;
	_ =	swait.ge @!p0 [sflag:s8], $0x0  }
0x24: {  	s3 =	sadd.s32 $0x88, s3;
	s6 =	simm.s32 @!p1 $0x1082;
	[sflag:s4] =	ssyncset.s32 $0xFFFFF086  }
0x25: {  	[simem:s6], [sflag:s4] =	dma.local [hbm:s3], $0xF7A  }
0x26: {  	[smem:$0x3F99] =	sst s1;
	(tag) =	ssettag s2;
	_ =	strace s9  }
0x27: {  	s1 =	sld [smem:$0x3FA9]  }
0x28: {  	s2 =	sld [smem:$0x3FAA]  }
0x29: {  	s4 =	sld [smem:$0x3FAC]  }
0x2a: {  	p0 =	seq.s32 s5, $0x0;
	s5 =	sld [smem:$0x3FAD]  }
0x2b: {  	s6 =	sld [smem:$0x3FAE]  }
0x2c: {  	s7 =	sld [smem:$0x3FAF]  }
0x2d: {  	s3 =	simm.s32 $0x108;
	s8 =	sld [smem:$0x3FB0]  }
0x2e: {  	s3 =	simm.s32 @!p0 $0x1082;
	s9 =	sld [smem:$0x3FB1]  }
0x2f: {  	lr =	sadd.s32 s0, s3;
	s0 =	sld [smem:$0x3FA8]  }
0x30: {  	s3 =	sld [smem:$0x3FAB]  }
0x31: {  	[smem:$0x3FB4] =	sst s10  }
0x32: {  	s10 =	sld [smem:$0x3FB2];
	_ =	sdelay $0x3  }
0x33: {  	p0 =	seq.s32 s10, $0x1;
	s10 =	sld [smem:$0x3FB4];
	_ =	sdelay $0x3  }
0x34: {  	[smem:$0x3FB4] =	sst s10  }
0x35: {  	s10 =	sld [smem:$0x3FB3];
	_ =	sdelay $0x3  }
0x36: {  	p1 =	seq.s32 s10, $0x1;
	s10 =	sld [smem:$0x3FB4];
	_ =	sdelay $0x3  }
0x37: {  	[smem:$0x3FB4] =	sst s10  }
0x38: {  	s10 =	sld [smem:$0x3FB5]  }
0x39: {  	_ = 	snop;
	(pc) =	sbr.ind lr, $3  }
0x3a: {  	_ = 	snop  }
0x3b: {  	_ = 	snop  }
0x3c: {  	p2 =	seq.s32 s10, $0x1;
	s10 =	sld [smem:$0x3FB4]  }
0x3d: {  	_ =	shalt  }
0x3e: {  	_ =	shalt  }
0x3f: {  	_ =	shalt  }
0x40: {  	_ =	shalt  }
0x41: {  	_ =	shalt  }
0x42: {  	_ =	shalt  }
0x43: {  	_ =	shalt  }
0x44: {  	_ =	shalt  }
0x45: {  	_ =	shalt  }
0x46: {  	_ =	shalt  }
0x47: {  	_ =	shalt  }
0x48: {  	_ =	shalt  }
0x49: {  	_ =	shalt  }
0x4a: {  	_ =	shalt  }
0x4b: {  	_ =	shalt  }
0x4c: {  	_ =	shalt  }
0x4d: {  	_ =	shalt  }
0x4e: {  	_ =	shalt  }
0x4f: {  	_ =	shalt  }
0x50: {  	_ =	shalt  }
0x51: {  	_ =	shalt  }
0x52: {  	_ =	shalt  }
0x53: {  	_ =	shalt  }
0x54: {  	_ =	shalt  }
0x55: {  	_ =	shalt  }
0x56: {  	_ =	shalt  }
0x57: {  	_ =	shalt  }
0x58: {  	_ =	shalt  }
0x59: {  	_ =	shalt  }
0x5a: {  	_ =	shalt  }
0x5b: {  	_ =	shalt  }
0x5c: {  	_ =	shalt  }
0x5d: {  	_ =	shalt  }
0x5e: {  	_ =	shalt  }
0x5f: {  	_ =	shalt  }
0x60: {  	_ =	shalt  }
0x61: {  	_ =	shalt  }
0x62: {  	_ =	shalt  }
0x63: {  	_ =	shalt  }
0x64: {  	_ =	shalt  }
0x65: {  	_ =	shalt  }
0x66: {  	_ =	shalt  }
0x67: {  	_ =	shalt  }
0x68: {  	_ =	shalt  }
0x69: {  	_ =	shalt  }
0x6a: {  	_ =	shalt  }
0x6b: {  	_ =	shalt  }
0x6c: {  	_ =	shalt  }
0x6d: {  	_ =	shalt  }
0x6e: {  	_ =	shalt  }
0x6f: {  	_ =	shalt  }
0x70: {  	_ =	shalt  }
0x71: {  	_ =	shalt  }
0x72: {  	_ =	shalt  }
0x73: {  	_ =	shalt  }
0x74: {  	_ =	shalt  }
0x75: {  	_ =	shalt  }
0x76: {  	_ =	shalt  }
0x77: {  	_ =	shalt  }
0x78: {  	_ =	shalt  }
0x79: {  	_ =	shalt  }
0x7a: {  	_ =	shalt  }
0x7b: {  	_ =	shalt  }
0x7c: {  	_ =	shalt  }
0x7d: {  	_ =	shalt  }
0x7e: {  	_ =	shalt  }
0x7f: {  	_ =	shalt  }
0x80: {  	_ =	shalt  }
0x81: {  	_ =	shalt  }
0x82: {  	_ =	shalt  }
0x83: {  	_ =	shalt  }
0x84: {  	_ =	shalt  }
0x85: {  	_ =	shalt  }
0x86: {  	_ =	shalt  }
0x87: {  	_ =	shalt  }
.Lfunc_end0:
.L_simem_size_0:
called_computation_lowered:
.L_overlay_start_0:
0x88: {  	s2 =	sld [smem:$0x3FD9]  }
0x89: {  	s3 =	sld [smem:$0x3FFE];
	_ =	sdelay $0x1  }
0x8a: {  	s1 =	srdreg.scid  }
0x8b: {  	s0 =	sand.u32 $0x1, s1  }
0x8c: {  	s14 =	sshll.u32 s0, $0xA;
	s2 =	sadd.s32 s3, s2  }
0x8d: {  	s2 =	sadd.s32 s2, s14  }
0x8e: {  	[smem:$0x3FC0] =	sst s2  }
0x8f: {  	_ = 	snop  }
0x90: {  	s2 =	sld [smem:$0x3FD0]  }
0x91: {  	s15 =	sld [smem:$0x3FC9]  }
0x92: {  	s4 =	sld [smem:$0x3FC7]  }
0x93: {  	s6 =	simm.s32 $0xA;
	s7 =	simm.s32 $0x10;
	s5 =	sld [smem:$0x3FC6]  }
0x94: {  	[smem:s7], [sflag:s6] =	dma.local [hbm:s2], $0x1  }
0x95: {  	_ =	swait.eq [sflag:s6], $0x1  }
0x96: {  	s16 =	sld [smem:$0x11];
	[sflag:s6] =	ssyncset.done $0x0  }
0x97: {  	s17 =	sld [smem:$0x12];
	[sflag:s6] =	ssyncadd.s32 $0xFFFFFFFF  }
0x98: {  	s18 =	sld [smem:$0x13];
	(tm) =	ssettm $0x1  }
0x99: {  	s8 =	sld [smem:$0x3FFB];
	_ =	sdelay $0x3  }
0x9a: {  	_ =	strace s8  }
0x9b: {  	s8 =	sld [smem:$0x3FFC];
	_ =	sdelay $0x3  }
0x9c: {  	_ =	strace s8  }
0x9d: {  	s8 =	sld [smem:$0x3FFD];
	_ =	sdelay $0x3  }
0x9e: {  	_ =	strace s8  }
0x9f: {  	_ =	strace $0x8FFFFFFF  }
0xa0: {  	s19 =	sld [smem:$0x3FDB];
	_ =	sdelay $0x1  }
0xa1: {  	s9 =	simm.s32 $_scs_section_size  }
0xa2: {  	s10 =	simm.s32 $_size__tile_overlayer_lowered;
	s11 =	simm.s32 $_tile_overlayer_lowered  }
0xa3: {  	s22 =	simm.s32 $0x1BFF;
	s21 =	sshll.u32 s11, $0x1;
	s8 =	sadd.s32 s9, s19  }
0xa4: {  	s12 =	simm.s32 $0x0;
	s20 =	sshll.u32 s10, $0x1;
	s10 =	sadd.s32 s21, s8  }
0xa5: {  	[timem:s12], [sflag:s22] =	dma.local [hbm:s10], s20  }
0xa6: {  	_ =	swait.ge [sflag:s22], s20  }
0xa7: {  	s9 =	ssub.s32 $0x0, s20;
	[sflag:s22] =	ssyncset.done $0x0  }
0xa8: {  	[sflag:s22] =	ssyncadd.s32 s9;
	_ =	sdelay $0x1  }
0xa9: {  	s23 =	simm.s32 $0x1B8B  }
0xaa: {  	_ =	swait.ge [sflag:s23], $0x1  }
0xab: {  	[sflag:s23] =	ssyncset.done $0x0  }
0xac: {  	s25 =	simm.s32 $0x1B8E;
	s24 =	sld [smem:$0x3FFE];
	[sflag:s23] =	ssyncadd.s32 $0xFFFFFFFF  }
0xad: {  	s26 =	simm.s32 $execute0_lowered;
	[smem:$0x3FD2] =	sst s25  }
0xae: {  	s10 =	sshll.u32 s26, $0x1;
	_ =	strace $0x80000046;
	[dreg:$0x1] =	wrdreg $0xFFFFFFFF  }
0xaf: {  	s28 =	simm.s32 $_size_execute0_lowered;
	s8 =	sadd.s32 s8, s10;
	[dreg:$0x0] =	wrdreg $0x0  }
0xb0: {  	s10 =	sshll.u32 s28, $0x1;
	[dreg:$0x2] =	wrdreg s8  }
0xb1: {  	[dreg:$0x3] =	wrdreg s10  }
0xb2: {  	[dreg:$0x4] =	wrdreg $0xC0  }
0xb3: {  	_ =	task [dreg:s12], $0x5FFFF  }
0xb4: {  	[dreg:$0x1] =	wrdreg $0xFFFFFFFF  }
0xb5: {  	[dreg:$0x0] =	wrdreg $0x60  }
0xb6: {  	[dreg:$0x2] =	wrdreg s15  }
0xb7: {  	[dreg:$0x3] =	wrdreg s4  }
0xb8: {  	[dreg:$0x4] =	wrdreg s5  }
0xb9: {  	[dreg:$0x5] =	wrdreg s24  }
0xba: {  	[dreg:$0x6] =	wrdreg s18  }
0xbb: {  	[dreg:$0x7] =	wrdreg s17  }
0xbc: {  	[dreg:$0x8] =	wrdreg s16  }
0xbd: {  	[dreg:$0x9] =	wrdreg $0x9  }
0xbe: {  	_ =	task.clear_ibuf [dreg:s12], $0xAFFFF;
	_ =	strace $0x90000046  }
0xbf: {  	s29 =	simm.s32 $0x9;
	_ =	strace $0x80000048  }
0xc0: {  	_ =	swait.ge [sflag:s29], $0x1  }
0xc1: {  	[sflag:s29] =	ssyncadd.s32 $0xFFFFFFFF  }
0xc2: {  	_ =	strace $0x90000048  }
0xc3: {  	_ =	sfence  }
0xc4: {  	s30 =	sld [smem:$0x0];
	_ =	sdelay $0x2  }
0xc5: {  	s31 =	sshll.u32 s1, $0xD;
	s1 =	sshrl.u32 s1, $0x2  }
0xc6: {  	s3 =	sand.u32 $0x4000, s31;
	s1 =	sadd.s32 s1, s30  }
0xc7: {  	s0 =	sor.u32 s3, s0;
	s1 =	sshll.u32 s1, $0x11  }
0xc8: {  	s0 =	sor.u32 s1, s0  }
0xc9: {  	s0 =	sadd.s32 $0x8F2B, s0  }
0xca: {  	[sflag:s0] =	ssyncadd.remote.s32 $0x1  }
0xcb: {  	_ =	sfence.sel $0xFFFF  }
0xcc: {  	[dreg:$0x0] =	wrdreg $0xFFFFFFFF;
	(pc) =	sbr.abs _section_cstart, $3  }
0xcd: {  	[dreg:$0x1] =	wrdreg $0xFFFFFFFF  }
0xce: {  	_ =	task.clear_ibuf [dreg:s12], $0x2FFFF;
	_ =	strace $0x9FFFFFFF  }
0xcf: {  	(tm) =	ssettm $0x7FFFFFFF  }
tec
execute0_lowered:
.L_overlay_start_1:
0x0: {  	(tag) =	ssettag $0x1  }
0x1: {  	s0 =	rddreg [dreg:$0x0]  }
0x2: {  	s1 =	rddreg [dreg:$0x1]  }
0x3: {  	s3 =	rddreg [dreg:$0x2]  }
0x4: {  	s4 =	rddreg [dreg:$0x3]  }
0x5: {  	s5 =	rddreg [dreg:$0x4]  }
0x6: {  	s6 =	rddreg [dreg:$0x5]  }
0x7: {  	s2 =	srdreg.scid;
	s7 =	rddreg [dreg:$0x6]  }
0x8: {  	s9 =	stileid.u32;
	s18 =	rddreg [dreg:$0x7];
	s24 =	simm.s32 $0x1600  }
0x9: {  	s25 =	simm.s32 $0x100;
	s26 =	simm.s32 $0x2600;
	s21 =	simm.s32 $0x280  }
0xa: {  	s22 =	simm.s32 $0x5600;
	s23 =	simm.s32 $0x300;
	s28 =	simm.s32 $0x480  }
0xb: {  	s29 =	simm.s32 $0x9600;
	s30 =	simm.s32 $0x500;
	s31 =	simm.s32 $0xA600  }
0xc: {  	p0 =	por $0x0, $0x0;
	s8 =	sand.u32 $0x1, s2;
	s9 =	sshll.u32 s9, $0x1  }
0xd: {  	s2 =	simm.s32 $0x0;
	s4 =	sadd.s32 $0x2400, s4;
	s9 =	sor.u32 s8, s9  }
0xe: {  	[smem:$0x7FF] =	sst s2;
	s14 =	ssub.s32 $0x2, s8;
	s8 =	simm.s32 $0x4  }
0xf: {  	s10 =	sshll.u32 s9, $0x6;
	_ =	strace $0x80000047;
	[dreg:$0xe] =	wrdreg s24  }
0x10: {  	s13 =	sshll.u32 s9, $0xB;
	s16 =	sshrl.u32 s14, $0x1;
	[dreg:$0xf] =	wrdreg s25  }
0x11: {  	[dreg:$0x10] =	wrdreg s26;
	s24 =	simm.s32 $0x6600;
	s25 =	simm.s32 $0x380  }
0x12: {  	s26 =	simm.s32 $0x7600;
	s9 =	simm.s32 $0x3;
	s0 =	sadd.s32 s0, s10  }
0x13: {  	s11 =	sadd.s32 s1, s10;
	s12 =	sadd.s32 s3, s10;
	s15 =	sadd.s32 s5, s13  }
0x14: {  	s17 =	sadd.s32 s6, s13;
	s3 =	ssub.s32 s14, s16;
	s19 =	sadd.s32 s7, s13  }
0x15: {  	s14 =	simm.s32 $0x200;
	s13 =	simm.s32 $0x400;
	[dreg:$0x8] =	wrdreg s0  }
0x16: {  	s10 =	simm.s32 $0x600;
	[dreg:$0x9] =	wrdreg s11;
	s20 =	smax.u32 s3, $0x1  }
0x17: {  	s6 =	simm.s32 $0x4600;
	[dreg:$0xa] =	wrdreg s12;
	p1 =	sne.s32 s20, $0x1  }
.Ltmp0:
0x18: {  	s16 =	simm.s32 $0x1;
	[dreg:$0xb] =	wrdreg s15;
	(pc) =	sbr.rel @!p1 .LBB2_1-.Ltmp0, $4  }
0x19: {  	s7 =	simm.s32 $0x5;
	s5 =	simm.s32 $0x6;
	[dreg:$0xc] =	wrdreg s17  }
0x1a: {  	[dreg:$0xd] =	wrdreg s19;
	s15 =	simm.s32 $0x7;
	s11 =	simm.s32 $0x80  }
0x1b: {  	s3 =	simm.s32 $0x8600;
	s19 =	simm.s32 $0x580;
	s17 =	simm.s32 $0xB600  }
0x1c: {  	s12 =	simm.s32 $0x2;
	s20 =	sadd.s32 $0xFFFFFFFF, s20;
	s0 =	rddreg [dreg:$0x8]  }
0x1d: {  	[tilespmem:s2], [sflag:$0x7] =	stream.linear.gather [hbm4b:s0+s2], $0x200, $0x38;
	[tilespmem:$0xC600] =	vst v63  }
0x1e: {  	_ =	swait.ge [sflag:s15], $0x200  }
0x1f: {  	[sflag:s15] =	ssyncset.done $0x0  }
0x20: {  	s1 =	rddreg [dreg:$0x9];
	[sflag:s15] =	ssyncadd.s32 $0xFFFFFE00  }
0x21: {  	[tilespmem:s14], [sflag:$0x7] =	stream.linear.gather [hbm4b:s1+s2], $0x200, $0x38;
	[tilespmem:$0xC600] =	vst v63  }
0x22: {  	_ =	swait.ge [sflag:s15], $0x200  }
0x23: {  	[sflag:s15] =	ssyncset.done $0x0  }
0x24: {  	s18 =	rddreg [dreg:$0xa];
	[sflag:s15] =	ssyncadd.s32 $0xFFFFFE00  }
0x25: {  	[tilespmem:s13], [sflag:$0x7] =	stream.linear.gather [hbm4b:s18+s2], $0x200, $0x38;
	[tilespmem:$0xC600] =	vst v63  }
0x26: {  	_ =	swait.ge [sflag:s15], $0x200  }
0x27: {  	[sflag:s15] =	ssyncset.done $0x0  }
0x28: {  	s18 =	rddreg [dreg:$0x10];
	[sflag:s15] =	ssyncadd.s32 $0xFFFFFE00  }
0x29: {  	[tilespmem:s10], [sflag:$0x1] =	stream.indirect.gather [hbm4b:s4+s11], $0x20, s2, s11, $0xb8;
	[tilespmem:$0xC600] =	vst v63  }
0x2a: {  	s1 =	rddreg [dreg:$0xe]  }
0x2b: {  	[tilespmem:s1], [sflag:$0x1] =	stream.indirect.gather [hbm4b:s4+s11], $0x20, s11, s11, $0xb8;
	[tilespmem:$0xC600] =	vst v63  }
0x2c: {  	s0 =	rddreg [dreg:$0xf]  }
0x2d: {  	[tilespmem:s18], [sflag:$0x1] =	stream.indirect.gather [hbm4b:s4+s11], $0x20, s0, s11, $0xb8;
	[tilespmem:$0xC600] =	vst v63  }
0x2e: {  	s1 =	simm.s32 $0x180;
	s18 =	simm.s32 $0x3600  }
0x2f: {  	[tilespmem:s18], [sflag:$0x1] =	stream.indirect.gather [hbm4b:s4+s11], $0x20, s1, s11, $0xb8;
	[tilespmem:$0xC600] =	vst v63  }
0x30: {  	_ = 	snop  }
0x31: {  	[tilespmem:s6], [sflag:$0x2] =	stream.indirect.gather [hbm4b:s4+s11], $0x20, s14, s11, $0xb8;
	[tilespmem:$0xC600] =	vst v63  }
0x32: {  	_ = 	snop  }
0x33: {  	[tilespmem:s22], [sflag:$0x2] =	stream.indirect.gather [hbm4b:s4+s11], $0x20, s21, s11, $0xb8;
	[tilespmem:$0xC600] =	vst v63  }
0x34: {  	_ = 	snop  }
0x35: {  	[tilespmem:s24], [sflag:$0x2] =	stream.indirect.gather [hbm4b:s4+s11], $0x20, s23, s11, $0xb8;
	[tilespmem:$0xC600] =	vst v63  }
0x36: {  	_ = 	snop  }
0x37: {  	[tilespmem:s26], [sflag:$0x2] =	stream.indirect.gather [hbm4b:s4+s11], $0x20, s25, s11, $0xb8;
	[tilespmem:$0xC600] =	vst v63  }
0x38: {  	_ = 	snop  }
0x39: {  	[tilespmem:s3], [sflag:$0x3] =	stream.indirect.gather [hbm4b:s4+s11], $0x20, s13, s11, $0xb8;
	[tilespmem:$0xC600] =	vst v63  }
0x3a: {  	_ = 	snop  }
0x3b: {  	[tilespmem:s29], [sflag:$0x3] =	stream.indirect.gather [hbm4b:s4+s11], $0x20, s28, s11, $0xb8;
	[tilespmem:$0xC600] =	vst v63  }
0x3c: {  	_ = 	snop  }
0x3d: {  	[tilespmem:s31], [sflag:$0x3] =	stream.indirect.gather [hbm4b:s4+s11], $0x20, s30, s11, $0xb8;
	[tilespmem:$0xC600] =	vst v63  }
0x3e: {  	_ = 	snop  }
0x3f: {  	[tilespmem:s17], [sflag:$0x3] =	stream.indirect.gather [hbm4b:s4+s11], $0x20, s19, s11, $0xb8;
	[tilespmem:$0xC600] =	vst v63  }
0x40: {  	_ =	swait.ge [sflag:s16], $0x1000  }
0x41: {  	[sflag:s16] =	ssyncset.done $0x0  }
0x42: {  	[sflag:s16] =	ssyncadd.s32 $0xFFFFF000  }
0x43: {  	_ =	swait.ge [sflag:s16], $0x1000  }
0x44: {  	[sflag:s16] =	ssyncset.done $0x0  }
0x45: {  	[sflag:s16] =	ssyncadd.s32 $0xFFFFF000  }
0x46: {  	_ =	swait.ge [sflag:s16], $0x1000  }
0x47: {  	[sflag:s16] =	ssyncset.done $0x0  }
0x48: {  	[sflag:s16] =	ssyncadd.s32 $0xFFFFF000  }
0x49: {  	_ =	swait.ge [sflag:s16], $0x1000  }
0x4a: {  	[sflag:s16] =	ssyncset.done $0x0  }
0x4b: {  	s1 =	rddreg [dreg:$0xb];
	[sflag:s16] =	ssyncadd.s32 $0xFFFFF000  }
0x4c: {  	[hbm4b:s1+s2] =	stream.linear.scatter [tilespmem:s10], [sflag:$0x4], $0x4000, $0x38;
	[tilespmem:$0xC600] =	vst v63  }
0x4d: {  	_ =	swait.ge [sflag:s12], $0x1000  }
0x4e: {  	[sflag:s12] =	ssyncset.done $0x0  }
0x4f: {  	[sflag:s12] =	ssyncadd.s32 $0xFFFFF000  }
0x50: {  	_ =	swait.ge [sflag:s12], $0x1000  }
0x51: {  	[sflag:s12] =	ssyncset.done $0x0  }
0x52: {  	[sflag:s12] =	ssyncadd.s32 $0xFFFFF000  }
0x53: {  	_ =	swait.ge [sflag:s12], $0x1000  }
0x54: {  	[sflag:s12] =	ssyncset.done $0x0  }
0x55: {  	[sflag:s12] =	ssyncadd.s32 $0xFFFFF000  }
0x56: {  	_ =	swait.ge [sflag:s12], $0x1000  }
0x57: {  	[sflag:s12] =	ssyncset.done $0x0  }
0x58: {  	s17 =	rddreg [dreg:$0xc];
	[sflag:s12] =	ssyncadd.s32 $0xFFFFF000  }
0x59: {  	[hbm4b:s17+s2] =	stream.linear.scatter [tilespmem:s6], [sflag:$0x5], $0x4000, $0x38;
	[tilespmem:$0xC600] =	vst v63  }
0x5a: {  	_ =	swait.ge [sflag:s9], $0x1000  }
0x5b: {  	[sflag:s9] =	ssyncset.done $0x0  }
0x5c: {  	[sflag:s9] =	ssyncadd.s32 $0xFFFFF000  }
0x5d: {  	_ =	swait.ge [sflag:s9], $0x1000  }
0x5e: {  	[sflag:s9] =	ssyncset.done $0x0  }
0x5f: {  	[sflag:s9] =	ssyncadd.s32 $0xFFFFF000  }
0x60: {  	_ =	swait.ge [sflag:s9], $0x1000  }
0x61: {  	[sflag:s9] =	ssyncset.done $0x0  }
0x62: {  	[sflag:s9] =	ssyncadd.s32 $0xFFFFF000  }
0x63: {  	_ =	swait.ge [sflag:s9], $0x1000  }
0x64: {  	[sflag:s9] =	ssyncset.done $0x0  }
0x65: {  	s18 =	rddreg [dreg:$0xd];
	[sflag:s9] =	ssyncadd.s32 $0xFFFFF000  }
0x66: {  	[hbm4b:s18+s2] =	stream.linear.scatter [tilespmem:s3], [sflag:$0x6], $0x4000, $0x38;
	[tilespmem:$0xC600] =	vst v63  }
0x67: {  	_ =	swait.ge [sflag:s8], $0x4000  }
0x68: {  	[sflag:s8] =	ssyncset.done $0x0  }
0x69: {  	p1 =	sne.s32 s20, $0x1;
	[sflag:s8] =	ssyncadd.s32 $0xFFFFC000  }
.Ltmp1:
0x6a: {  	_ =	swait.ge [sflag:s7], $0x4000;
	(pc) =	sbr.rel @!p1 .LBB2_3-.Ltmp1, $4  }
0x6b: {  	[sflag:s7] =	ssyncset.done $0x0  }
0x6c: {  	[sflag:s7] =	ssyncadd.s32 $0xFFFFC000  }
0x6d: {  	p0 =	por $0x1, $0x1;
	s1 =	sadd.s32 $0xFFFFFFFF, s20;
	_ =	swait.ge [sflag:s5], $0x4000  }
0x6e: {  	s20 =	simm.s32 $0xB600;
	s0 =	rddreg [dreg:$0x8];
	[sflag:s5] =	ssyncset.done $0x0  }
.LBB2_4:
0x6f: {  	[sflag:s5] =	ssyncadd.s32 $0xFFFFC000  }
0x70: {  	[tilespmem:s2], [sflag:$0x7] =	stream.linear.gather [hbm4b:s0+s2], $0x200, $0x38;
	[tilespmem:$0xC600] =	vst v63  }
0x71: {  	_ =	swait.ge [sflag:s15], $0x200  }
0x72: {  	[sflag:s15] =	ssyncset.done $0x0  }
0x73: {  	s17 =	rddreg [dreg:$0x9];
	[sflag:s15] =	ssyncadd.s32 $0xFFFFFE00  }
0x74: {  	[tilespmem:s14], [sflag:$0x7] =	stream.linear.gather [hbm4b:s17+s2], $0x200, $0x38;
	[tilespmem:$0xC600] =	vst v63  }
0x75: {  	_ =	swait.ge [sflag:s15], $0x200  }
0x76: {  	[sflag:s15] =	ssyncset.done $0x0  }
0x77: {  	s18 =	rddreg [dreg:$0xa];
	[sflag:s15] =	ssyncadd.s32 $0xFFFFFE00  }
0x78: {  	[tilespmem:s13], [sflag:$0x7] =	stream.linear.gather [hbm4b:s18+s2], $0x200, $0x38;
	[tilespmem:$0xC600] =	vst v63  }
0x79: {  	_ =	swait.ge [sflag:s15], $0x200  }
0x7a: {  	[sflag:s15] =	ssyncset.done $0x0  }
0x7b: {  	s0 =	rddreg [dreg:$0x10];
	[sflag:s15] =	ssyncadd.s32 $0xFFFFFE00  }
0x7c: {  	[tilespmem:s10], [sflag:$0x1] =	stream.indirect.gather [hbm4b:s4+s11], $0x20, s2, s11, $0xb8;
	[tilespmem:$0xC600] =	vst v63  }
0x7d: {  	s17 =	rddreg [dreg:$0xe]  }
0x7e: {  	[tilespmem:s17], [sflag:$0x1] =	stream.indirect.gather [hbm4b:s4+s11], $0x20, s11, s11, $0xb8;
	[tilespmem:$0xC600] =	vst v63  }
0x7f: {  	s18 =	rddreg [dreg:$0xf]  }
0x80: {  	[tilespmem:s0], [sflag:$0x1] =	stream.indirect.gather [hbm4b:s4+s11], $0x20, s18, s11, $0xb8;
	[tilespmem:$0xC600] =	vst v63  }
0x81: {  	s17 =	simm.s32 $0x180;
	s18 =	simm.s32 $0x3600  }
0x82: {  	[tilespmem:s18], [sflag:$0x1] =	stream.indirect.gather [hbm4b:s4+s11], $0x20, s17, s11, $0xb8;
	[tilespmem:$0xC600] =	vst v63  }
0x83: {  	_ = 	snop  }
0x84: {  	[tilespmem:s6], [sflag:$0x2] =	stream.indirect.gather [hbm4b:s4+s11], $0x20, s14, s11, $0xb8;
	[tilespmem:$0xC600] =	vst v63  }
0x85: {  	_ = 	snop  }
0x86: {  	[tilespmem:s22], [sflag:$0x2] =	stream.indirect.gather [hbm4b:s4+s11], $0x20, s21, s11, $0xb8;
	[tilespmem:$0xC600] =	vst v63  }
0x87: {  	_ = 	snop  }
0x88: {  	[tilespmem:s24], [sflag:$0x2] =	stream.indirect.gather [hbm4b:s4+s11], $0x20, s23, s11, $0xb8;
	[tilespmem:$0xC600] =	vst v63  }
0x89: {  	_ = 	snop  }
0x8a: {  	[tilespmem:s26], [sflag:$0x2] =	stream.indirect.gather [hbm4b:s4+s11], $0x20, s25, s11, $0xb8;
	[tilespmem:$0xC600] =	vst v63  }
0x8b: {  	_ = 	snop  }
0x8c: {  	[tilespmem:s3], [sflag:$0x3] =	stream.indirect.gather [hbm4b:s4+s11], $0x20, s13, s11, $0xb8;
	[tilespmem:$0xC600] =	vst v63  }
0x8d: {  	_ = 	snop  }
0x8e: {  	[tilespmem:s29], [sflag:$0x3] =	stream.indirect.gather [hbm4b:s4+s11], $0x20, s28, s11, $0xb8;
	[tilespmem:$0xC600] =	vst v63  }
0x8f: {  	_ = 	snop  }
0x90: {  	[tilespmem:s31], [sflag:$0x3] =	stream.indirect.gather [hbm4b:s4+s11], $0x20, s30, s11, $0xb8;
	[tilespmem:$0xC600] =	vst v63  }
0x91: {  	_ = 	snop  }
0x92: {  	[tilespmem:s20], [sflag:$0x3] =	stream.indirect.gather [hbm4b:s4+s11], $0x20, s19, s11, $0xb8;
	[tilespmem:$0xC600] =	vst v63  }
0x93: {  	_ =	swait.ge [sflag:s16], $0x1000  }
0x94: {  	[sflag:s16] =	ssyncset.done $0x0  }
0x95: {  	[sflag:s16] =	ssyncadd.s32 $0xFFFFF000  }
0x96: {  	_ =	swait.ge [sflag:s16], $0x1000  }
0x97: {  	[sflag:s16] =	ssyncset.done $0x0  }
0x98: {  	[sflag:s16] =	ssyncadd.s32 $0xFFFFF000  }
0x99: {  	_ =	swait.ge [sflag:s16], $0x1000  }
0x9a: {  	[sflag:s16] =	ssyncset.done $0x0  }
0x9b: {  	[sflag:s16] =	ssyncadd.s32 $0xFFFFF000  }
0x9c: {  	_ =	swait.ge [sflag:s16], $0x1000  }
0x9d: {  	[sflag:s16] =	ssyncset.done $0x0  }
0x9e: {  	s18 =	rddreg [dreg:$0xb];
	[sflag:s16] =	ssyncadd.s32 $0xFFFFF000  }
0x9f: {  	[hbm4b:s18+s2] =	stream.linear.scatter [tilespmem:s10], [sflag:$0x4], $0x4000, $0x38;
	[tilespmem:$0xC600] =	vst v63  }
0xa0: {  	_ =	swait.ge [sflag:s12], $0x1000  }
0xa1: {  	[sflag:s12] =	ssyncset.done $0x0  }
0xa2: {  	[sflag:s12] =	ssyncadd.s32 $0xFFFFF000  }
0xa3: {  	_ =	swait.ge [sflag:s12], $0x1000  }
0xa4: {  	[sflag:s12] =	ssyncset.done $0x0  }
0xa5: {  	[sflag:s12] =	ssyncadd.s32 $0xFFFFF000  }
0xa6: {  	_ =	swait.ge [sflag:s12], $0x1000  }
0xa7: {  	[sflag:s12] =	ssyncset.done $0x0  }
0xa8: {  	[sflag:s12] =	ssyncadd.s32 $0xFFFFF000  }
0xa9: {  	_ =	swait.ge [sflag:s12], $0x1000  }
0xaa: {  	[sflag:s12] =	ssyncset.done $0x0  }
0xab: {  	s17 =	rddreg [dreg:$0xc];
	[sflag:s12] =	ssyncadd.s32 $0xFFFFF000  }
0xac: {  	[hbm4b:s17+s2] =	stream.linear.scatter [tilespmem:s6], [sflag:$0x5], $0x4000, $0x38;
	[tilespmem:$0xC600] =	vst v63  }
0xad: {  	_ =	swait.ge [sflag:s9], $0x1000  }
0xae: {  	[sflag:s9] =	ssyncset.done $0x0  }
0xaf: {  	[sflag:s9] =	ssyncadd.s32 $0xFFFFF000  }
0xb0: {  	_ =	swait.ge [sflag:s9], $0x1000  }
0xb1: {  	[sflag:s9] =	ssyncset.done $0x0  }
0xb2: {  	[sflag:s9] =	ssyncadd.s32 $0xFFFFF000  }
0xb3: {  	_ =	swait.ge [sflag:s9], $0x1000  }
0xb4: {  	[sflag:s9] =	ssyncset.done $0x0  }
0xb5: {  	[sflag:s9] =	ssyncadd.s32 $0xFFFFF000  }
0xb6: {  	_ =	swait.ge [sflag:s9], $0x1000  }
0xb7: {  	[sflag:s9] =	ssyncset.done $0x0  }
0xb8: {  	s18 =	rddreg [dreg:$0xd];
	[sflag:s9] =	ssyncadd.s32 $0xFFFFF000  }
0xb9: {  	[hbm4b:s18+s2] =	stream.linear.scatter [tilespmem:s3], [sflag:$0x6], $0x4000, $0x38;
	[tilespmem:$0xC600] =	vst v63  }
0xba: {  	_ =	swait.ge [sflag:s8], $0x4000  }
0xbb: {  	[sflag:s8] =	ssyncset.done $0x0  }
0xbc: {  	p1 =	sne.s32 s1, $0x1;
	[sflag:s8] =	ssyncadd.s32 $0xFFFFC000  }
.Ltmp2:
0xbd: {  	_ =	swait.ge [sflag:s7], $0x4000;
	(pc) =	sbr.rel @p1 .LBB2_4-.Ltmp2, $4  }
0xbe: {  	[sflag:s7] =	ssyncset.done $0x0  }
0xbf: {  	[sflag:s7] =	ssyncadd.s32 $0xFFFFC000  }
0xc0: {  	_ =	swait.ge [sflag:s5], $0x4000  }
0xc1: {  	s1 =	sadd.s32 $0xFFFFFFFF, s1;
	s0 =	rddreg [dreg:$0x8];
	[sflag:s5] =	ssyncset.done $0x0  }
0xc2: {  	s17 =	simm.s32 $0x580;
	s31 =	simm.s32 $0xA600  }
0xc3: {  	s30 =	simm.s32 $0x500;
	s29 =	simm.s32 $0x9600;
	s28 =	simm.s32 $0x480  }
0xc4: {  	s26 =	simm.s32 $0x7600;
	s25 =	simm.s32 $0x380;
	s24 =	simm.s32 $0x6600  }
0xc5: {  	s23 =	simm.s32 $0x300;
	s22 =	simm.s32 $0x5600;
	s21 =	simm.s32 $0x280  }
0xc6: {  	s20 =	simm.s32 $0x3600;
	s19 =	simm.s32 $0x180;
	s18 =	rddreg [dreg:$0x7]  }
.LBB2_6:
0xc7: {  	[sflag:s5] =	ssyncadd.s32 @p0 $0xFFFFC000  }
0xc8: {  	[tilespmem:s2], [sflag:$0x7] =	stream.linear.gather [hbm4b:s0+s2], $0x200, $0x38;
	[tilespmem:$0xC600] =	vst v63  }
0xc9: {  	_ =	swait.ge [sflag:s15], $0x200  }
0xca: {  	[sflag:s15] =	ssyncset.done $0x0  }
0xcb: {  	s1 =	rddreg [dreg:$0x9];
	[sflag:s15] =	ssyncadd.s32 $0xFFFFFE00  }
0xcc: {  	[tilespmem:s14], [sflag:$0x7] =	stream.linear.gather [hbm4b:s1+s2], $0x200, $0x38;
	[tilespmem:$0xC600] =	vst v63  }
0xcd: {  	_ =	swait.ge [sflag:s15], $0x200  }
0xce: {  	[sflag:s15] =	ssyncset.done $0x0  }
0xcf: {  	s1 =	rddreg [dreg:$0xa];
	[sflag:s15] =	ssyncadd.s32 $0xFFFFFE00  }
0xd0: {  	[tilespmem:s13], [sflag:$0x7] =	stream.linear.gather [hbm4b:s1+s2], $0x200, $0x38;
	[tilespmem:$0xC600] =	vst v63  }
0xd1: {  	_ =	swait.ge [sflag:s15], $0x200  }
0xd2: {  	[sflag:s15] =	ssyncset.done $0x0  }
0xd3: {  	s0 =	rddreg [dreg:$0xe];
	[sflag:s15] =	ssyncadd.s32 $0xFFFFFE00  }
0xd4: {  	[tilespmem:s10], [sflag:$0x1] =	stream.indirect.gather [hbm4b:s4+s11], $0x20, s2, s11, $0xb8;
	[tilespmem:$0xC600] =	vst v63  }
0xd5: {  	s1 =	rddreg [dreg:$0x10]  }
0xd6: {  	[tilespmem:s0], [sflag:$0x1] =	stream.indirect.gather [hbm4b:s4+s11], $0x20, s11, s11, $0xb8;
	[tilespmem:$0xC600] =	vst v63  }
0xd7: {  	s15 =	rddreg [dreg:$0xf]  }
0xd8: {  	[tilespmem:s1], [sflag:$0x1] =	stream.indirect.gather [hbm4b:s4+s11], $0x20, s15, s11, $0xb8;
	[tilespmem:$0xC600] =	vst v63  }
0xd9: {  	_ = 	snop  }
0xda: {  	[tilespmem:s20], [sflag:$0x1] =	stream.indirect.gather [hbm4b:s4+s11], $0x20, s19, s11, $0xb8;
	[tilespmem:$0xC600] =	vst v63  }
0xdb: {  	_ = 	snop  }
0xdc: {  	[tilespmem:s6], [sflag:$0x2] =	stream.indirect.gather [hbm4b:s4+s11], $0x20, s14, s11, $0xb8;
	[tilespmem:$0xC600] =	vst v63  }
0xdd: {  	_ = 	snop  }
0xde: {  	[tilespmem:s22], [sflag:$0x2] =	stream.indirect.gather [hbm4b:s4+s11], $0x20, s21, s11, $0xb8;
	[tilespmem:$0xC600] =	vst v63  }
0xdf: {  	_ = 	snop  }
0xe0: {  	[tilespmem:s24], [sflag:$0x2] =	stream.indirect.gather [hbm4b:s4+s11], $0x20, s23, s11, $0xb8;
	[tilespmem:$0xC600] =	vst v63  }
0xe1: {  	_ = 	snop  }
0xe2: {  	[tilespmem:s26], [sflag:$0x2] =	stream.indirect.gather [hbm4b:s4+s11], $0x20, s25, s11, $0xb8;
	[tilespmem:$0xC600] =	vst v63  }
0xe3: {  	_ = 	snop  }
0xe4: {  	[tilespmem:s3], [sflag:$0x3] =	stream.indirect.gather [hbm4b:s4+s11], $0x20, s13, s11, $0xb8;
	[tilespmem:$0xC600] =	vst v63  }
0xe5: {  	_ = 	snop  }
0xe6: {  	[tilespmem:s29], [sflag:$0x3] =	stream.indirect.gather [hbm4b:s4+s11], $0x20, s28, s11, $0xb8;
	[tilespmem:$0xC600] =	vst v63  }
0xe7: {  	_ = 	snop  }
0xe8: {  	[tilespmem:s31], [sflag:$0x3] =	stream.indirect.gather [hbm4b:s4+s11], $0x20, s30, s11, $0xb8;
	[tilespmem:$0xC600] =	vst v63  }
0xe9: {  	s26 =	simm.s32 $0xB600  }
0xea: {  	[tilespmem:s26], [sflag:$0x3] =	stream.indirect.gather [hbm4b:s4+s11], $0x20, s17, s11, $0xb8;
	[tilespmem:$0xC600] =	vst v63  }
0xeb: {  	_ =	swait.ge [sflag:s16], $0x1000  }
0xec: {  	[sflag:s16] =	ssyncset.done $0x0  }
0xed: {  	[sflag:s16] =	ssyncadd.s32 $0xFFFFF000  }
0xee: {  	_ =	swait.ge [sflag:s16], $0x1000  }
0xef: {  	[sflag:s16] =	ssyncset.done $0x0  }
0xf0: {  	[sflag:s16] =	ssyncadd.s32 $0xFFFFF000  }
0xf1: {  	_ =	swait.ge [sflag:s16], $0x1000  }
0xf2: {  	[sflag:s16] =	ssyncset.done $0x0  }
0xf3: {  	[sflag:s16] =	ssyncadd.s32 $0xFFFFF000  }
0xf4: {  	_ =	swait.ge [sflag:s16], $0x1000  }
0xf5: {  	[sflag:s16] =	ssyncset.done $0x0  }
0xf6: {  	s28 =	rddreg [dreg:$0xb];
	[sflag:s16] =	ssyncadd.s32 $0xFFFFF000  }
0xf7: {  	[hbm4b:s28+s2] =	stream.linear.scatter [tilespmem:s10], [sflag:$0x4], $0x4000, $0x38;
	[tilespmem:$0xC600] =	vst v63  }
0xf8: {  	_ =	swait.ge [sflag:s12], $0x1000  }
0xf9: {  	[sflag:s12] =	ssyncset.done $0x0  }
0xfa: {  	[sflag:s12] =	ssyncadd.s32 $0xFFFFF000  }
0xfb: {  	_ =	swait.ge [sflag:s12], $0x1000  }
0xfc: {  	[sflag:s12] =	ssyncset.done $0x0  }
0xfd: {  	[sflag:s12] =	ssyncadd.s32 $0xFFFFF000  }
0xfe: {  	_ =	swait.ge [sflag:s12], $0x1000  }
0xff: {  	[sflag:s12] =	ssyncset.done $0x0  }
0x100: {  	[sflag:s12] =	ssyncadd.s32 $0xFFFFF000  }
0x101: {  	_ =	swait.ge [sflag:s12], $0x1000  }
0x102: {  	[sflag:s12] =	ssyncset.done $0x0  }
0x103: {  	s29 =	rddreg [dreg:$0xc];
	[sflag:s12] =	ssyncadd.s32 $0xFFFFF000  }
0x104: {  	[hbm4b:s29+s2] =	stream.linear.scatter [tilespmem:s6], [sflag:$0x5], $0x4000, $0x38;
	[tilespmem:$0xC600] =	vst v63  }
0x105: {  	_ =	swait.ge [sflag:s9], $0x1000  }
0x106: {  	[sflag:s9] =	ssyncset.done $0x0  }
0x107: {  	[sflag:s9] =	ssyncadd.s32 $0xFFFFF000  }
0x108: {  	_ =	swait.ge [sflag:s9], $0x1000  }
0x109: {  	[sflag:s9] =	ssyncset.done $0x0  }
0x10a: {  	[sflag:s9] =	ssyncadd.s32 $0xFFFFF000  }
0x10b: {  	_ =	swait.ge [sflag:s9], $0x1000  }
0x10c: {  	[sflag:s9] =	ssyncset.done $0x0  }
0x10d: {  	[sflag:s9] =	ssyncadd.s32 $0xFFFFF000  }
0x10e: {  	_ =	swait.ge [sflag:s9], $0x1000  }
0x10f: {  	[sflag:s9] =	ssyncset.done $0x0  }
0x110: {  	s30 =	rddreg [dreg:$0xd];
	[sflag:s9] =	ssyncadd.s32 $0xFFFFF000  }
0x111: {  	[hbm4b:s30+s2] =	stream.linear.scatter [tilespmem:s3], [sflag:$0x6], $0x4000, $0x38;
	[tilespmem:$0xC600] =	vst v63  }
0x112: {  	_ =	swait.ge [sflag:s8], $0x4000  }
0x113: {  	[sflag:s8] =	ssyncset.done $0x0  }
0x114: {  	[sflag:s8] =	ssyncadd.s32 $0xFFFFC000  }
0x115: {  	_ =	swait.ge [sflag:s7], $0x4000  }
0x116: {  	[sflag:s7] =	ssyncset.done $0x0  }
0x117: {  	[sflag:s7] =	ssyncadd.s32 $0xFFFFC000  }
0x118: {  	_ =	swait.ge [sflag:s5], $0x4000  }
0x119: {  	[sflag:s5] =	ssyncset.done $0x0  }
0x11a: {  	[sflag:s5] =	ssyncadd.s32 $0xFFFFC000  }
0x11b: {  	_ =	sfence.sel $0x180000  }
0x11c: {  	s31 =	stileid.u32;
	[bflag:$0x0] =	sbarrier.arrive $0xFFFF  }
0x11d: {  	p0 =	sne.s32 s31, $0x0;
	_ =	strace $0x90000047  }
0x11e: {  	s0 =	sadd.s32 @!p0 $0x100000, s18;
	[bflag:$0x2] =	sbarrier.arrive $0xFFFF  }
0x11f: {  	[sflag:s0] =	ssyncadd.tile.s32 @!p0 $0x1;
	_ =	shalt  }
.LBB2_1:
.Ltmp3:
0x120: {  	s17 =	simm.s32 $0x580;
	(pc) =	sbr.rel .LBB2_6-.Ltmp3, $4  }
0x121: {  	s31 =	simm.s32 $0xA600;
	s30 =	simm.s32 $0x500;
	s29 =	simm.s32 $0x9600  }
0x122: {  	s28 =	simm.s32 $0x480;
	s26 =	simm.s32 $0x7600;
	s25 =	simm.s32 $0x380  }
0x123: {  	s24 =	simm.s32 $0x6600;
	s23 =	simm.s32 $0x300;
	s22 =	simm.s32 $0x5600  }
0x124: {  	s21 =	simm.s32 $0x280;
	s20 =	simm.s32 $0x3600;
	s19 =	simm.s32 $0x180  }
.LBB2_3:
.Ltmp4:
0x125: {  	s17 =	simm.s32 $0x580;
	s31 =	simm.s32 $0xA600;
	(pc) =	sbr.rel .LBB2_6-.Ltmp4, $4  }
0x126: {  	s30 =	simm.s32 $0x500;
	s29 =	simm.s32 $0x9600;
	s28 =	simm.s32 $0x480  }
0x127: {  	s26 =	simm.s32 $0x7600;
	s25 =	simm.s32 $0x380;
	s24 =	simm.s32 $0x6600  }
0x128: {  	s23 =	simm.s32 $0x300;
	s22 =	simm.s32 $0x5600;
	s21 =	simm.s32 $0x280  }
0x129: {  	s20 =	simm.s32 $0x3600;
	s19 =	simm.s32 $0x180;
	s18 =	rddreg [dreg:$0x7]  }
.Lfunc_end2:
_tile_overlayer_lowered:
.L_overlay_start_2:
0x12a: {  	(tag) =	ssettag $0x2  }
0x12b: {  	s0 =	rddreg [dreg:$0x0];
	s2 =	stileid.u32  }
0x12c: {  	s1 =	rddreg [dreg:$0x1];
	p0 =	sne.s32 s2, $0x0  }
0x12d: {  	s3 =	rddreg [dreg:$0x2];
	[bflag:$0x3] =	sbarrier.arrive $0xFFFF;
	s2 =	simm.s32 @!p0 $0x1C07  }
0x12e: {  	[timem:s3], [sflag:s2] =	dma.local @!p0 [hbm:s0], s1  }
0x12f: {  	s0 =	simm.s32 @!p0 $0x7  }
0x130: {  	_ =	swait.ge @!p0 [sflag:s0], s1  }
0x131: {  	s1 =	ssub.s32 @!p0 $0x0, s1;
	[sflag:s0] =	ssyncset.done @!p0 $0x0  }
0x132: {  	[sflag:s0] =	ssyncadd.s32 @!p0 s1  }
0x133: {  	[bflag:$0x3] =	sbarrier.arrive $0xFFFF  }
0x134: {  	_ =	shalt  }

</sc_bundles>
